<compile_context>
chip_gen: v7x
topology: tpu7x:2x2x1
jax: 0.10.2.dev20260603
libtpu: 0.0.44.dev20260713+nightly
codegen_flags: <defaults>
</compile_context>

<pallas_src>
import functools

import jax
import jax.numpy as jnp
from jax import lax
from jax.experimental import pallas as pl
from jax.experimental.pallas import tpu as pltpu
from jax.experimental.pallas import tpu_sc as plsc

N = 10000
E = 160000
F = 256
FH = 128

N_ACC = 10112
ROW_BLK = 128
N_BLKS = N_ACC // ROW_BLK
TILES = 16
ROWS_PER_TILE = N_ACC // TILES

E_PAD = 163840
SLAB = 128
N_SLABS = E_PAD // SLAB
SLABS_PER_TILE = N_SLABS // TILES
IDXC = 16

GS = 64
GSPT = E_PAD // (TILES * GS)
GIDXC = 80

_mesh = plsc.VectorSubcoreMesh(core_axis_name="c", subcore_axis_name="s")


@functools.partial(
    pl.kernel,
    out_type=jax.ShapeDtypeStruct((2, N_ACC, FH), jnp.float32),
    mesh=_mesh,
    scratch_types=[
        pltpu.VMEM((SLABS_PER_TILE * SLAB,), jnp.int32),
        pltpu.VMEM((SLAB, FH), jnp.float32),
        pltpu.VMEM_SHARED((N_ACC, FH), jnp.float32),
    ],
)
def _deg_kernel(edges_hbm, ones_hbm, zeros_hbm, out_hbm, idx_v, ones_v, acc):
    c = lax.axis_index("c")
    s = lax.axis_index("s")
    rbase = s * ROWS_PER_TILE
    ebase = s * SLABS_PER_TILE * SLAB
    pltpu.sync_copy(zeros_hbm, acc.at[pl.ds(rbase, ROWS_PER_TILE)])
    pltpu.sync_copy(ones_hbm, ones_v)

    @pl.when(c == 0)
    def _():
        pltpu.sync_copy(edges_hbm.at[0].at[pl.ds(ebase, SLABS_PER_TILE * SLAB)],
                        idx_v)

    @pl.when(c == 1)
    def _():
        pltpu.sync_copy(edges_hbm.at[1].at[pl.ds(ebase, SLABS_PER_TILE * SLAB)],
                        idx_v)

    plsc.subcore_barrier()

    def body(j, _):
        pltpu.sync_copy(ones_v, acc.at[idx_v.at[pl.ds(j * SLAB, SLAB)]], add=True)
        return ()

    lax.fori_loop(0, SLABS_PER_TILE, body, ())
    plsc.subcore_barrier()

    @pl.when(c == 0)
    def _():
        pltpu.sync_copy(acc.at[pl.ds(rbase, ROWS_PER_TILE)],
                        out_hbm.at[0].at[pl.ds(rbase, ROWS_PER_TILE)])

    @pl.when(c == 1)
    def _():
        pltpu.sync_copy(acc.at[pl.ds(rbase, ROWS_PER_TILE)],
                        out_hbm.at[1].at[pl.ds(rbase, ROWS_PER_TILE)])


@functools.partial(
    pl.kernel,
    out_type=jax.ShapeDtypeStruct((2, N_ACC, FH), jnp.float32),
    mesh=_mesh,
    scratch_types=[
        pltpu.VMEM((GIDXC * GS,), jnp.int32),
        pltpu.VMEM((GIDXC * GS,), jnp.int32),
        pltpu.VMEM((GS, FH), jnp.float32),
        pltpu.VMEM((GS, FH), jnp.float32),
        pltpu.VMEM((GS, FH), jnp.float32),
        pltpu.VMEM((GS, FH), jnp.float32),
        pltpu.VMEM_SHARED((N_ACC, FH), jnp.float32),
        pltpu.SemaphoreType.DMA,
        pltpu.SemaphoreType.DMA,
    ],
)
def _agg_kernel(y_hbm, edges_hbm, zeros_hbm, out_hbm,
                src_c, dst_c, b0, b1, b2, b3, acc, gsem, ssem):
    bufs = (b0, b1, b2, b3)
    c = lax.axis_index("c")
    s = lax.axis_index("s")
    rbase = s * ROWS_PER_TILE
    pltpu.sync_copy(zeros_hbm, acc.at[pl.ds(rbase, ROWS_PER_TILE)])
    plsc.subcore_barrier()

    def _gather(j, buf):
        pltpu.async_copy(
            y_hbm.at[c].at[src_c.at[pl.ds(j * GS, GS)]], buf, gsem)

    def _gwait(j, buf):
        pltpu.make_async_copy(
            y_hbm.at[c].at[src_c.at[pl.ds(j * GS, GS)]], buf, gsem).wait()

    def _sfire(j, buf):
        pltpu.async_copy(buf, acc.at[dst_c.at[pl.ds(j * GS, GS)]], ssem,
                         add=True)

    def _swait(j, buf):
        pltpu.make_async_copy(buf, acc.at[dst_c.at[pl.ds(j * GS, GS)]],
                              ssem).wait()

    NBUF = len(bufs)

    def chunk_body(k, _):
        ebase = (s * GSPT + k * GIDXC) * GS
        pltpu.sync_copy(edges_hbm.at[0].at[pl.ds(ebase, GIDXC * GS)], src_c)
        pltpu.sync_copy(edges_hbm.at[1].at[pl.ds(ebase, GIDXC * GS)], dst_c)
        for b in range(NBUF):
            _gather(b, bufs[b])

        def body(jj, _):
            for b in range(NBUF):
                j = NBUF * jj + b
                _gwait(j, bufs[b])
                _sfire(j, bufs[b])
                _swait(j, bufs[b])

                @pl.when(jj < GIDXC // NBUF - 1)
                def _():
                    _gather(j + NBUF, bufs[b])

            return ()

        lax.fori_loop(0, GIDXC // NBUF, body, ())
        return ()

    lax.fori_loop(0, GSPT // GIDXC, chunk_body, ())
    plsc.subcore_barrier()
    pltpu.sync_copy(acc.at[pl.ds(rbase, ROWS_PER_TILE)],
                    out_hbm.at[c].at[pl.ds(rbase, ROWS_PER_TILE)])


def _norm(deg_blk):
    return lax.rsqrt(jnp.clip(deg_blk[:, :1], 1.0, None))


def _mm1_body(h_ref, deg_ref, w_ref, out_ref):
    x = h_ref[...] * _norm(deg_ref[0])
    y = jnp.dot(x, w_ref[...], preferred_element_type=jnp.float32)
    out_ref[0] = y[:, :FH]
    out_ref[1] = y[:, FH:]


def _mm1(h_pad, deg, W):
    return pl.pallas_call(
        _mm1_body,
        grid=(N_BLKS,),
        in_specs=[
            pl.BlockSpec((ROW_BLK, F), lambda i: (i, 0)),
            pl.BlockSpec((1, ROW_BLK, FH), lambda i: (0, i, 0)),
            pl.BlockSpec((F, F), lambda i: (0, 0)),
        ],
        out_specs=pl.BlockSpec((2, ROW_BLK, FH), lambda i: (0, i, 0)),
        out_shape=jax.ShapeDtypeStruct((2, N_ACC, FH), jnp.float32),
    )(h_pad, deg, W)


def _mm2_body(a_ref, deg_ref, b_ref, w_ref, out_ref):
    i = pl.program_id(0)
    x = jnp.concatenate([a_ref[0], a_ref[1]], axis=1)
    norm_dst = _norm(deg_ref[1])
    norm_src = _norm(deg_ref[0])
    x1 = jax.nn.relu(x * norm_dst + b_ref[...])
    rows = i * ROW_BLK + lax.broadcasted_iota(jnp.int32, (ROW_BLK, 1), 0)
    x1 = jnp.where(rows < N, x1, 0.0)
    y = jnp.dot(x1 * norm_src, w_ref[...], preferred_element_type=jnp.float32)
    out_ref[0] = y[:, :FH]
    out_ref[1] = y[:, FH:]


def _mm2(a1, deg, b1, W):
    return pl.pallas_call(
        _mm2_body,
        grid=(N_BLKS,),
        in_specs=[
            pl.BlockSpec((2, ROW_BLK, FH), lambda i: (0, i, 0)),
            pl.BlockSpec((2, ROW_BLK, FH), lambda i: (0, i, 0)),
            pl.BlockSpec((1, F), lambda i: (0, 0)),
            pl.BlockSpec((F, F), lambda i: (0, 0)),
        ],
        out_specs=pl.BlockSpec((2, ROW_BLK, FH), lambda i: (0, i, 0)),
        out_shape=jax.ShapeDtypeStruct((2, N_ACC, FH), jnp.float32),
    )(a1, deg, b1, W)


def _final_body(a_ref, deg_ref, b_ref, out_ref):
    x = jnp.concatenate([a_ref[0], a_ref[1]], axis=1)
    out_ref[...] = x * _norm(deg_ref[1]) + b_ref[...]


def _final(a2, deg, b2):
    return pl.pallas_call(
        _final_body,
        grid=(N_BLKS,),
        in_specs=[
            pl.BlockSpec((2, ROW_BLK, FH), lambda i: (0, i, 0)),
            pl.BlockSpec((2, ROW_BLK, FH), lambda i: (0, i, 0)),
            pl.BlockSpec((1, F), lambda i: (0, 0)),
        ],
        out_specs=pl.BlockSpec((ROW_BLK, F), lambda i: (i, 0)),
        out_shape=jax.ShapeDtypeStruct((N, F), jnp.float32),
    )(a2, deg, b2)


def kernel(h, edge_index, W1, b1, W2, b2):
    src = edge_index[0]
    dst = edge_index[1]
    pad = jnp.full((E_PAD - E,), N, dtype=jnp.int32)
    src_r = jnp.concatenate([src, pad])
    dst_r = jnp.concatenate([dst, pad])
    edges = jnp.stack([src_r, dst_r])

    ones_vals = jnp.ones((SLAB, FH), jnp.float32)
    zeros_slab = jnp.zeros((ROWS_PER_TILE, FH), jnp.float32)
    h_pad = jnp.concatenate([h, jnp.zeros((N_ACC - N, F), h.dtype)], axis=0)

    deg = _deg_kernel(edges, ones_vals, zeros_slab)
    y1 = _mm1(h_pad, deg, W1)
    a1 = _agg_kernel(y1, edges, zeros_slab)
    y2 = _mm2(a1, deg, b1.reshape(1, F), W2)
    a2 = _agg_kernel(y2, edges, zeros_slab)
    return _final(a2, deg, b2.reshape(1, F))

# --- scband reference (transcript-rebuilt; emitter-appended) ---
"""Pipeline reference for scband-gcn-90666759619057 (READ-ONLY COPY).

The authoritative reference and input builder live on the scoring server;
editing this copy changes nothing except your own understanding.
"""

import jax, jax.numpy as jnp
import numpy as np

N = 10000
E = 160000
IN_FEATS = 256
H_FEATS = 256
OUT_FEATS = 256


def gcn_layer(h, W, b, src, dst, n_nodes):
    # DGL GraphConv with norm='both': out = D_dst^{-1/2} A (D_src^{-1/2} X W) + b
    ones = jnp.ones((src.shape[0],), dtype=h.dtype)
    deg_out = jax.ops.segment_sum(ones, src, num_segments=n_nodes)
    deg_in = jax.ops.segment_sum(ones, dst, num_segments=n_nodes)
    norm_src = jax.lax.rsqrt(jnp.clip(deg_out, 1.0))
    norm_dst = jax.lax.rsqrt(jnp.clip(deg_in, 1.0))
    h = h * norm_src[:, None]
    h = h @ W
    msgs = jnp.take(h, src, axis=0)
    agg = jax.ops.segment_sum(msgs, dst, num_segments=n_nodes)
    return agg * norm_dst[:, None] + b


def setup_inputs(seed: int = 0) -> dict:
    key = jax.random.key(seed)
    ks = jax.random.split(key, 4)
    h = jax.random.normal(ks[0], (N, IN_FEATS), dtype=jnp.float32)
    edge_index = jax.random.randint(ks[1], (2, E), 0, N, dtype=jnp.int32)
    W1 = jax.random.normal(ks[2], (IN_FEATS, H_FEATS), dtype=jnp.float32) * (1.0 / np.sqrt(IN_FEATS))
    b1 = jnp.zeros((H_FEATS,), dtype=jnp.float32)
    W2 = jax.random.normal(ks[3], (H_FEATS, OUT_FEATS), dtype=jnp.float32) * (1.0 / np.sqrt(H_FEATS))
    b2 = jnp.zeros((OUT_FEATS,), dtype=jnp.float32)
    return {"h": h, "edge_index": edge_index, "W1": W1, "b1": b1, "W2": W2, "b2": b2}


def reference(h, edge_index, W1, b1, W2, b2):
    src = edge_index[0]
    dst = edge_index[1]
    x = gcn_layer(h, W1, b1, src, dst, N)
    x = jax.nn.relu(x)
    # dropout is identity in eval mode
    x = gcn_layer(x, W2, b2, src, dst, N)
    return x

if __name__ == "__main__":
    import jax
    _d = setup_inputs()
    print(jax.jit(kernel)(*tuple(_d.values())))

</pallas_src>

<mosaic_0001>
#map = affine_map<(d0, d1) -> (0, 0, 0)>
#map1 = affine_map<(d0, d1) -> (0, 0)>
module attributes {stable_mosaic.version = 14 : i64} {
  func.func @_agg_kernel(%arg0: i32, %arg1: i32, %arg2: memref<2x10112x128xf32, #tpu.memory_space<hbm>>, %arg3: memref<2x163840xi32, #tpu.memory_space<hbm>>, %arg4: memref<632x128xf32, #tpu.memory_space<hbm>>, %arg5: memref<2x10112x128xf32, #tpu.memory_space<hbm>>, %arg6: memref<5120xi32, #tpu.memory_space<vmem>>, %arg7: memref<5120xi32, #tpu.memory_space<vmem>>, %arg8: memref<64x128xf32, #tpu.memory_space<vmem>>, %arg9: memref<64x128xf32, #tpu.memory_space<vmem>>, %arg10: memref<64x128xf32, #tpu.memory_space<vmem>>, %arg11: memref<64x128xf32, #tpu.memory_space<vmem>>, %arg12: memref<10112x128xf32, #tpu.memory_space<vmem_shared>>, %arg13: memref<!tpu.dma_semaphore, #tpu.memory_space<semaphore_mem>>, %arg14: memref<!tpu.dma_semaphore, #tpu.memory_space<semaphore_mem>>) attributes {dimension_semantics = [#tpu.dimension_semantics<core_parallel>, #tpu.dimension_semantics<subcore_parallel>], iteration_bounds = array<i64: 2, 16>, scalar_prefetch = 0 : i64, scratch_operands = 9 : i64, tpu.core_type = #tpu.core_type<sc_vector_subcore>, window_params = [{transform_indices = #map}, {transform_indices = #map1}, {transform_indices = #map1}, {transform_indices = #map}]} {
    %mul3A = arith.constant 632 : i32
    %mul3A_0 = arith.muli %arg1, %mul3A : i32
    "tpu.region"() ({
      %run_scoped3A = tpu.sem_alloc : memref<!tpu.dma_semaphore, #tpu.memory_space<semaphore_mem>>
      %dma_start3A = arith.constant 0 : i32
      %dma_start3A_6 = tpu.memref_slice %arg12[%mul3A_0, %dma_start3A] : memref<10112x128xf32, #tpu.memory_space<vmem_shared>> -> memref<632x128xf32, #tpu.memory_space<vmem_shared>>
      tpu.enqueue_dma source(%arg4 : memref<632x128xf32, #tpu.memory_space<hbm>>) target(%dma_start3A_6 : memref<632x128xf32, #tpu.memory_space<vmem_shared>>) target_semaphore(%run_scoped3A : memref<!tpu.dma_semaphore, #tpu.memory_space<semaphore_mem>>)
      %dma_wait3A = arith.constant 0 : i32
      %dma_wait3A_7 = tpu.memref_slice %arg12[%mul3A_0, %dma_wait3A] : memref<10112x128xf32, #tpu.memory_space<vmem_shared>> -> memref<632x128xf32, #tpu.memory_space<vmem_shared>>
      tpu.wait_dma2 semaphore(%run_scoped3A : memref<!tpu.dma_semaphore, #tpu.memory_space<semaphore_mem>>) src(%arg4 : memref<632x128xf32, #tpu.memory_space<hbm>>) dst(%dma_wait3A_7 : memref<632x128xf32, #tpu.memory_space<vmem_shared>>)
      tpu.yield
    }) : () -> ()
    %barrier3A = arith.constant 0 : index
    tpu.barrier barrier_id(%barrier3A)
    %scan3A = arith.constant 0 : i32
    %scan3A_1 = arith.constant 2 : i32
    %scan3A_2 = arith.addi %scan3A, %scan3A_1 : i32
    %scan3A_3 = arith.constant 1 : i32
    scf.for %scan3A_6 = %scan3A to %scan3A_2 step %scan3A_3  : i32 {
      %mul3A_7 = arith.constant 160 : i32
      %mul3A_8 = arith.muli %arg1, %mul3A_7 : i32
      %mul3A_9 = arith.constant 80 : i32
      %mul3A_10 = arith.muli %scan3A_6, %mul3A_9 : i32
      %add3A = arith.addi %mul3A_8, %mul3A_10 : i32
      %mul3A_11 = arith.constant 64 : i32
      %mul3A_12 = arith.muli %add3A, %mul3A_11 : i32
      %run_scoped3A = arith.constant 0 : i32
      "tpu.region"() ({
        %run_scoped3A_54 = tpu.sem_alloc : memref<!tpu.dma_semaphore, #tpu.memory_space<semaphore_mem>>
        %dma_start3A_55 = arith.constant 0 : i32
        %dma_start3A_56 = tpu.memref_slice %arg3[%run_scoped3A, %dma_start3A_55] : memref<2x163840xi32, #tpu.memory_space<hbm>> -> memref<1x163840xi32, #tpu.memory_space<hbm>>
        %dma_start3A_57 = tpu.memref_squeeze %dma_start3A_56 : memref<1x163840xi32, #tpu.memory_space<hbm>> -> memref<163840xi32, #tpu.memory_space<hbm>>
        %dma_start3A_58 = tpu.memref_slice %dma_start3A_57[%mul3A_12] : memref<163840xi32, #tpu.memory_space<hbm>> -> memref<5120xi32, #tpu.memory_space<hbm>>
        %dma_start3A_59 = arith.constant 0 : i32
        %dma_start3A_60 = tpu.memref_slice %arg3[%run_scoped3A, %dma_start3A_59] : memref<2x163840xi32, #tpu.memory_space<hbm>> -> memref<1x163840xi32, #tpu.memory_space<hbm>>
        %dma_start3A_61 = tpu.memref_squeeze %dma_start3A_60 : memref<1x163840xi32, #tpu.memory_space<hbm>> -> memref<163840xi32, #tpu.memory_space<hbm>>
        %dma_start3A_62 = tpu.memref_slice %dma_start3A_61[%mul3A_12] : memref<163840xi32, #tpu.memory_space<hbm>> -> memref<5120xi32, #tpu.memory_space<hbm>>
        tpu.enqueue_dma source(%dma_start3A_62 : memref<5120xi32, #tpu.memory_space<hbm>>) target(%arg6 : memref<5120xi32, #tpu.memory_space<vmem>>) target_semaphore(%run_scoped3A_54 : memref<!tpu.dma_semaphore, #tpu.memory_space<semaphore_mem>>)
        %dma_wait3A = arith.constant 0 : i32
        %dma_wait3A_63 = tpu.memref_slice %arg3[%run_scoped3A, %dma_wait3A] : memref<2x163840xi32, #tpu.memory_space<hbm>> -> memref<1x163840xi32, #tpu.memory_space<hbm>>
        %dma_wait3A_64 = tpu.memref_squeeze %dma_wait3A_63 : memref<1x163840xi32, #tpu.memory_space<hbm>> -> memref<163840xi32, #tpu.memory_space<hbm>>
        %dma_wait3A_65 = tpu.memref_slice %dma_wait3A_64[%mul3A_12] : memref<163840xi32, #tpu.memory_space<hbm>> -> memref<5120xi32, #tpu.memory_space<hbm>>
        %dma_wait3A_66 = arith.constant 0 : i32
        %dma_wait3A_67 = tpu.memref_slice %arg3[%run_scoped3A, %dma_wait3A_66] : memref<2x163840xi32, #tpu.memory_space<hbm>> -> memref<1x163840xi32, #tpu.memory_space<hbm>>
        %dma_wait3A_68 = tpu.memref_squeeze %dma_wait3A_67 : memref<1x163840xi32, #tpu.memory_space<hbm>> -> memref<163840xi32, #tpu.memory_space<hbm>>
        %dma_wait3A_69 = tpu.memref_slice %dma_wait3A_68[%mul3A_12] : memref<163840xi32, #tpu.memory_space<hbm>> -> memref<5120xi32, #tpu.memory_space<hbm>>
        tpu.wait_dma2 semaphore(%run_scoped3A_54 : memref<!tpu.dma_semaphore, #tpu.memory_space<semaphore_mem>>) src(%dma_wait3A_69 : memref<5120xi32, #tpu.memory_space<hbm>>) dst(%arg6 : memref<5120xi32, #tpu.memory_space<vmem>>)
        tpu.yield
      }) : () -> ()
      %run_scoped3A_13 = arith.constant 1 : i32
      "tpu.region"() ({
        %run_scoped3A_54 = tpu.sem_alloc : memref<!tpu.dma_semaphore, #tpu.memory_space<semaphore_mem>>
        %dma_start3A_55 = arith.constant 0 : i32
        %dma_start3A_56 = tpu.memref_slice %arg3[%run_scoped3A_13, %dma_start3A_55] : memref<2x163840xi32, #tpu.memory_space<hbm>> -> memref<1x163840xi32, #tpu.memory_space<hbm>>
        %dma_start3A_57 = tpu.memref_squeeze %dma_start3A_56 : memref<1x163840xi32, #tpu.memory_space<hbm>> -> memref<163840xi32, #tpu.memory_space<hbm>>
        %dma_start3A_58 = tpu.memref_slice %dma_start3A_57[%mul3A_12] : memref<163840xi32, #tpu.memory_space<hbm>> -> memref<5120xi32, #tpu.memory_space<hbm>>
        %dma_start3A_59 = arith.constant 0 : i32
        %dma_start3A_60 = tpu.memref_slice %arg3[%run_scoped3A_13, %dma_start3A_59] : memref<2x163840xi32, #tpu.memory_space<hbm>> -> memref<1x163840xi32, #tpu.memory_space<hbm>>
        %dma_start3A_61 = tpu.memref_squeeze %dma_start3A_60 : memref<1x163840xi32, #tpu.memory_space<hbm>> -> memref<163840xi32, #tpu.memory_space<hbm>>
        %dma_start3A_62 = tpu.memref_slice %dma_start3A_61[%mul3A_12] : memref<163840xi32, #tpu.memory_space<hbm>> -> memref<5120xi32, #tpu.memory_space<hbm>>
        tpu.enqueue_dma source(%dma_start3A_62 : memref<5120xi32, #tpu.memory_space<hbm>>) target(%arg7 : memref<5120xi32, #tpu.memory_space<vmem>>) target_semaphore(%run_scoped3A_54 : memref<!tpu.dma_semaphore, #tpu.memory_space<semaphore_mem>>)
        %dma_wait3A = arith.constant 0 : i32
        %dma_wait3A_63 = tpu.memref_slice %arg3[%run_scoped3A_13, %dma_wait3A] : memref<2x163840xi32, #tpu.memory_space<hbm>> -> memref<1x163840xi32, #tpu.memory_space<hbm>>
        %dma_wait3A_64 = tpu.memref_squeeze %dma_wait3A_63 : memref<1x163840xi32, #tpu.memory_space<hbm>> -> memref<163840xi32, #tpu.memory_space<hbm>>
        %dma_wait3A_65 = tpu.memref_slice %dma_wait3A_64[%mul3A_12] : memref<163840xi32, #tpu.memory_space<hbm>> -> memref<5120xi32, #tpu.memory_space<hbm>>
        %dma_wait3A_66 = arith.constant 0 : i32
        %dma_wait3A_67 = tpu.memref_slice %arg3[%run_scoped3A_13, %dma_wait3A_66] : memref<2x163840xi32, #tpu.memory_space<hbm>> -> memref<1x163840xi32, #tpu.memory_space<hbm>>
        %dma_wait3A_68 = tpu.memref_squeeze %dma_wait3A_67 : memref<1x163840xi32, #tpu.memory_space<hbm>> -> memref<163840xi32, #tpu.memory_space<hbm>>
        %dma_wait3A_69 = tpu.memref_slice %dma_wait3A_68[%mul3A_12] : memref<163840xi32, #tpu.memory_space<hbm>> -> memref<5120xi32, #tpu.memory_space<hbm>>
        tpu.wait_dma2 semaphore(%run_scoped3A_54 : memref<!tpu.dma_semaphore, #tpu.memory_space<semaphore_mem>>) src(%dma_wait3A_69 : memref<5120xi32, #tpu.memory_space<hbm>>) dst(%arg7 : memref<5120xi32, #tpu.memory_space<vmem>>)
        tpu.yield
      }) : () -> ()
      %dma_start3A = arith.constant 0 : i32
      %dma_start3A_14 = tpu.memref_slice %arg6[%dma_start3A] : memref<5120xi32, #tpu.memory_space<vmem>> -> memref<64xi32, #tpu.memory_space<vmem>>
      %dma_start3A_15 = arith.constant 0 : i32
      %dma_start3A_16 = arith.constant 0 : i32
      %dma_start3A_17 = tpu.memref_slice %arg2[%arg0, %dma_start3A_15, %dma_start3A_16] : memref<2x10112x128xf32, #tpu.memory_space<hbm>> -> memref<1x10112x128xf32, #tpu.memory_space<hbm>>
      %dma_start3A_18 = tpu.memref_squeeze %dma_start3A_17 : memref<1x10112x128xf32, #tpu.memory_space<hbm>> -> memref<10112x128xf32, #tpu.memory_space<hbm>>
      %dma_start3A_19 = arith.constant 0 : i32
      %dma_start3A_20 = arith.constant 0 : i32
      %dma_start3A_21 = tpu.memref_slice %dma_start3A_18[%dma_start3A_19, %dma_start3A_20] : memref<10112x128xf32, #tpu.memory_space<hbm>> -> memref<10112x128xf32, #tpu.memory_space<hbm>>
      tpu.enqueue_indirect_dma source(%dma_start3A_21 : memref<10112x128xf32, #tpu.memory_space<hbm>>) target(%arg8 : memref<64x128xf32, #tpu.memory_space<vmem>>) offsets(%dma_start3A_14 : memref<64xi32, #tpu.memory_space<vmem>>) semaphore(%arg13 : memref<!tpu.dma_semaphore, #tpu.memory_space<semaphore_mem>>)
      %dma_start3A_22 = arith.constant 64 : i32
      %dma_start3A_23 = tpu.memref_slice %arg6[%dma_start3A_22] : memref<5120xi32, #tpu.memory_space<vmem>> -> memref<64xi32, #tpu.memory_space<vmem>>
      %dma_start3A_24 = arith.constant 0 : i32
      %dma_start3A_25 = arith.constant 0 : i32
      %dma_start3A_26 = tpu.memref_slice %arg2[%arg0, %dma_start3A_24, %dma_start3A_25] : memref<2x10112x128xf32, #tpu.memory_space<hbm>> -> memref<1x10112x128xf32, #tpu.memory_space<hbm>>
      %dma_start3A_27 = tpu.memref_squeeze %dma_start3A_26 : memref<1x10112x128xf32, #tpu.memory_space<hbm>> -> memref<10112x128xf32, #tpu.memory_space<hbm>>
      %dma_start3A_28 = arith.constant 0 : i32
      %dma_start3A_29 = arith.constant 0 : i32
      %dma_start3A_30 = tpu.memref_slice %dma_start3A_27[%dma_start3A_28, %dma_start3A_29] : memref<10112x128xf32, #tpu.memory_space<hbm>> -> memref<10112x128xf32, #tpu.memory_space<hbm>>
      tpu.enqueue_indirect_dma source(%dma_start3A_30 : memref<10112x128xf32, #tpu.memory_space<hbm>>) target(%arg9 : memref<64x128xf32, #tpu.memory_space<vmem>>) offsets(%dma_start3A_23 : memref<64xi32, #tpu.memory_space<vmem>>) semaphore(%arg13 : memref<!tpu.dma_semaphore, #tpu.memory_space<semaphore_mem>>)
      %dma_start3A_31 = arith.constant 128 : i32
      %dma_start3A_32 = tpu.memref_slice %arg6[%dma_start3A_31] : memref<5120xi32, #tpu.memory_space<vmem>> -> memref<64xi32, #tpu.memory_space<vmem>>
      %dma_start3A_33 = arith.constant 0 : i32
      %dma_start3A_34 = arith.constant 0 : i32
      %dma_start3A_35 = tpu.memref_slice %arg2[%arg0, %dma_start3A_33, %dma_start3A_34] : memref<2x10112x128xf32, #tpu.memory_space<hbm>> -> memref<1x10112x128xf32, #tpu.memory_space<hbm>>
      %dma_start3A_36 = tpu.memref_squeeze %dma_start3A_35 : memref<1x10112x128xf32, #tpu.memory_space<hbm>> -> memref<10112x128xf32, #tpu.memory_space<hbm>>
      %dma_start3A_37 = arith.constant 0 : i32
      %dma_start3A_38 = arith.constant 0 : i32
      %dma_start3A_39 = tpu.memref_slice %dma_start3A_36[%dma_start3A_37, %dma_start3A_38] : memref<10112x128xf32, #tpu.memory_space<hbm>> -> memref<10112x128xf32, #tpu.memory_space<hbm>>
      tpu.enqueue_indirect_dma source(%dma_start3A_39 : memref<10112x128xf32, #tpu.memory_space<hbm>>) target(%arg10 : memref<64x128xf32, #tpu.memory_space<vmem>>) offsets(%dma_start3A_32 : memref<64xi32, #tpu.memory_space<vmem>>) semaphore(%arg13 : memref<!tpu.dma_semaphore, #tpu.memory_space<semaphore_mem>>)
      %dma_start3A_40 = arith.constant 192 : i32
      %dma_start3A_41 = tpu.memref_slice %arg6[%dma_start3A_40] : memref<5120xi32, #tpu.memory_space<vmem>> -> memref<64xi32, #tpu.memory_space<vmem>>
      %dma_start3A_42 = arith.constant 0 : i32
      %dma_start3A_43 = arith.constant 0 : i32
      %dma_start3A_44 = tpu.memref_slice %arg2[%arg0, %dma_start3A_42, %dma_start3A_43] : memref<2x10112x128xf32, #tpu.memory_space<hbm>> -> memref<1x10112x128xf32, #tpu.memory_space<hbm>>
      %dma_start3A_45 = tpu.memref_squeeze %dma_start3A_44 : memref<1x10112x128xf32, #tpu.memory_space<hbm>> -> memref<10112x128xf32, #tpu.memory_space<hbm>>
      %dma_start3A_46 = arith.constant 0 : i32
      %dma_start3A_47 = arith.constant 0 : i32
      %dma_start3A_48 = tpu.memref_slice %dma_start3A_45[%dma_start3A_46, %dma_start3A_47] : memref<10112x128xf32, #tpu.memory_space<hbm>> -> memref<10112x128xf32, #tpu.memory_space<hbm>>
      tpu.enqueue_indirect_dma source(%dma_start3A_48 : memref<10112x128xf32, #tpu.memory_space<hbm>>) target(%arg11 : memref<64x128xf32, #tpu.memory_space<vmem>>) offsets(%dma_start3A_41 : memref<64xi32, #tpu.memory_space<vmem>>) semaphore(%arg13 : memref<!tpu.dma_semaphore, #tpu.memory_space<semaphore_mem>>)
      %scan3A_49 = arith.constant 0 : i32
      %scan3A_50 = arith.constant 20 : i32
      %scan3A_51 = arith.addi %scan3A_49, %scan3A_50 : i32
      %scan3A_52 = arith.constant 1 : i32
      scf.for %scan3A_54 = %scan3A_49 to %scan3A_51 step %scan3A_52  : i32 {
        %mul3A_55 = arith.constant 4 : i32
        %mul3A_56 = arith.muli %mul3A_55, %scan3A_54 : i32
        %add3A_57 = arith.constant 0 : i32
        %add3A_58 = arith.addi %mul3A_56, %add3A_57 : i32
        %mul3A_59 = arith.constant 64 : i32
        %mul3A_60 = arith.muli %add3A_58, %mul3A_59 : i32
        %dma_wait3A = tpu.memref_slice %arg6[%mul3A_60] : memref<5120xi32, #tpu.memory_space<vmem>> -> memref<64xi32, #tpu.memory_space<vmem>>
        %dma_wait3A_61 = arith.constant 0 : i32
        %dma_wait3A_62 = arith.constant 0 : i32
        %dma_wait3A_63 = tpu.memref_slice %arg2[%arg0, %dma_wait3A_61, %dma_wait3A_62] : memref<2x10112x128xf32, #tpu.memory_space<hbm>> -> memref<1x10112x128xf32, #tpu.memory_space<hbm>>
        %dma_wait3A_64 = tpu.memref_squeeze %dma_wait3A_63 : memref<1x10112x128xf32, #tpu.memory_space<hbm>> -> memref<10112x128xf32, #tpu.memory_space<hbm>>
        %dma_wait3A_65 = arith.constant 0 : i32
        %dma_wait3A_66 = arith.constant 0 : i32
        %dma_wait3A_67 = tpu.memref_slice %dma_wait3A_64[%dma_wait3A_65, %dma_wait3A_66] : memref<10112x128xf32, #tpu.memory_space<hbm>> -> memref<10112x128xf32, #tpu.memory_space<hbm>>
        tpu.wait_indirect_dma semaphore(%arg13 : memref<!tpu.dma_semaphore, #tpu.memory_space<semaphore_mem>>) src(%dma_wait3A_67 : memref<10112x128xf32, #tpu.memory_space<hbm>>) dst(%arg8 : memref<64x128xf32, #tpu.memory_space<vmem>>)
        %mul3A_68 = arith.constant 64 : i32
        %mul3A_69 = arith.muli %add3A_58, %mul3A_68 : i32
        %dma_start3A_70 = tpu.memref_slice %arg7[%mul3A_69] : memref<5120xi32, #tpu.memory_space<vmem>> -> memref<64xi32, #tpu.memory_space<vmem>>
        %dma_start3A_71 = arith.constant 0 : i32
        %dma_start3A_72 = arith.constant 0 : i32
        %dma_start3A_73 = tpu.memref_slice %arg12[%dma_start3A_71, %dma_start3A_72] : memref<10112x128xf32, #tpu.memory_space<vmem_shared>> -> memref<10112x128xf32, #tpu.memory_space<vmem_shared>>
        tpu.enqueue_indirect_dma source(%arg8 : memref<64x128xf32, #tpu.memory_space<vmem>>) target(%dma_start3A_73 : memref<10112x128xf32, #tpu.memory_space<vmem_shared>>) offsets(%dma_start3A_70 : memref<64xi32, #tpu.memory_space<vmem>>) semaphore(%arg14 : memref<!tpu.dma_semaphore, #tpu.memory_space<semaphore_mem>>) {add = true}
        %mul3A_74 = arith.constant 64 : i32
        %mul3A_75 = arith.muli %add3A_58, %mul3A_74 : i32
        %dma_wait3A_76 = tpu.memref_slice %arg7[%mul3A_75] : memref<5120xi32, #tpu.memory_space<vmem>> -> memref<64xi32, #tpu.memory_space<vmem>>
        %dma_wait3A_77 = arith.constant 0 : i32
        %dma_wait3A_78 = arith.constant 0 : i32
        %dma_wait3A_79 = tpu.memref_slice %arg12[%dma_wait3A_77, %dma_wait3A_78] : memref<10112x128xf32, #tpu.memory_space<vmem_shared>> -> memref<10112x128xf32, #tpu.memory_space<vmem_shared>>
        tpu.wait_indirect_dma semaphore(%arg14 : memref<!tpu.dma_semaphore, #tpu.memory_space<semaphore_mem>>) src(%arg8 : memref<64x128xf32, #tpu.memory_space<vmem>>) dst(%dma_wait3A_79 : memref<10112x128xf32, #tpu.memory_space<vmem_shared>>)
        %lt3A = arith.constant 19 : i32
        %lt3A_80 = arith.cmpi slt, %scan3A_54, %lt3A : i32
        %convert_element_type3A = arith.extui %lt3A_80 : i1 to i32
        %cond3A = arith.constant 0 : i32
        %cond3A_81 = arith.cmpi ne, %convert_element_type3A, %cond3A : i32
        scf.if %cond3A_81 {
          %add3A_175 = arith.constant 4 : i32
          %add3A_176 = arith.addi %add3A_58, %add3A_175 : i32
          %mul3A_177 = arith.constant 64 : i32
          %mul3A_178 = arith.muli %add3A_176, %mul3A_177 : i32
          %dma_start3A_179 = tpu.memref_slice %arg6[%mul3A_178] : memref<5120xi32, #tpu.memory_space<vmem>> -> memref<64xi32, #tpu.memory_space<vmem>>
          %dma_start3A_180 = arith.constant 0 : i32
          %dma_start3A_181 = arith.constant 0 : i32
          %dma_start3A_182 = tpu.memref_slice %arg2[%arg0, %dma_start3A_180, %dma_start3A_181] : memref<2x10112x128xf32, #tpu.memory_space<hbm>> -> memref<1x10112x128xf32, #tpu.memory_space<hbm>>
          %dma_start3A_183 = tpu.memref_squeeze %dma_start3A_182 : memref<1x10112x128xf32, #tpu.memory_space<hbm>> -> memref<10112x128xf32, #tpu.memory_space<hbm>>
          %dma_start3A_184 = arith.constant 0 : i32
          %dma_start3A_185 = arith.constant 0 : i32
          %dma_start3A_186 = tpu.memref_slice %dma_start3A_183[%dma_start3A_184, %dma_start3A_185] : memref<10112x128xf32, #tpu.memory_space<hbm>> -> memref<10112x128xf32, #tpu.memory_space<hbm>>
          tpu.enqueue_indirect_dma source(%dma_start3A_186 : memref<10112x128xf32, #tpu.memory_space<hbm>>) target(%arg8 : memref<64x128xf32, #tpu.memory_space<vmem>>) offsets(%dma_start3A_179 : memref<64xi32, #tpu.memory_space<vmem>>) semaphore(%arg13 : memref<!tpu.dma_semaphore, #tpu.memory_space<semaphore_mem>>)
        } else {
        }
        %mul3A_82 = arith.constant 4 : i32
        %mul3A_83 = arith.muli %mul3A_82, %scan3A_54 : i32
        %add3A_84 = arith.constant 1 : i32
        %add3A_85 = arith.addi %mul3A_83, %add3A_84 : i32
        %mul3A_86 = arith.constant 64 : i32
        %mul3A_87 = arith.muli %add3A_85, %mul3A_86 : i32
        %dma_wait3A_88 = tpu.memref_slice %arg6[%mul3A_87] : memref<5120xi32, #tpu.memory_space<vmem>> -> memref<64xi32, #tpu.memory_space<vmem>>
        %dma_wait3A_89 = arith.constant 0 : i32
        %dma_wait3A_90 = arith.constant 0 : i32
        %dma_wait3A_91 = tpu.memref_slice %arg2[%arg0, %dma_wait3A_89, %dma_wait3A_90] : memref<2x10112x128xf32, #tpu.memory_space<hbm>> -> memref<1x10112x128xf32, #tpu.memory_space<hbm>>
        %dma_wait3A_92 = tpu.memref_squeeze %dma_wait3A_91 : memref<1x10112x128xf32, #tpu.memory_space<hbm>> -> memref<10112x128xf32, #tpu.memory_space<hbm>>
        %dma_wait3A_93 = arith.constant 0 : i32
        %dma_wait3A_94 = arith.constant 0 : i32
        %dma_wait3A_95 = tpu.memref_slice %dma_wait3A_92[%dma_wait3A_93, %dma_wait3A_94] : memref<10112x128xf32, #tpu.memory_space<hbm>> -> memref<10112x128xf32, #tpu.memory_space<hbm>>
        tpu.wait_indirect_dma semaphore(%arg13 : memref<!tpu.dma_semaphore, #tpu.memory_space<semaphore_mem>>) src(%dma_wait3A_95 : memref<10112x128xf32, #tpu.memory_space<hbm>>) dst(%arg9 : memref<64x128xf32, #tpu.memory_space<vmem>>)
        %mul3A_96 = arith.constant 64 : i32
        %mul3A_97 = arith.muli %add3A_85, %mul3A_96 : i32
        %dma_start3A_98 = tpu.memref_slice %arg7[%mul3A_97] : memref<5120xi32, #tpu.memory_space<vmem>> -> memref<64xi32, #tpu.memory_space<vmem>>
        %dma_start3A_99 = arith.constant 0 : i32
        %dma_start3A_100 = arith.constant 0 : i32
        %dma_start3A_101 = tpu.memref_slice %arg12[%dma_start3A_99, %dma_start3A_100] : memref<10112x128xf32, #tpu.memory_space<vmem_shared>> -> memref<10112x128xf32, #tpu.memory_space<vmem_shared>>
        tpu.enqueue_indirect_dma source(%arg9 : memref<64x128xf32, #tpu.memory_space<vmem>>) target(%dma_start3A_101 : memref<10112x128xf32, #tpu.memory_space<vmem_shared>>) offsets(%dma_start3A_98 : memref<64xi32, #tpu.memory_space<vmem>>) semaphore(%arg14 : memref<!tpu.dma_semaphore, #tpu.memory_space<semaphore_mem>>) {add = true}
        %mul3A_102 = arith.constant 64 : i32
        %mul3A_103 = arith.muli %add3A_85, %mul3A_102 : i32
        %dma_wait3A_104 = tpu.memref_slice %arg7[%mul3A_103] : memref<5120xi32, #tpu.memory_space<vmem>> -> memref<64xi32, #tpu.memory_space<vmem>>
        %dma_wait3A_105 = arith.constant 0 : i32
        %dma_wait3A_106 = arith.constant 0 : i32
        %dma_wait3A_107 = tpu.memref_slice %arg12[%dma_wait3A_105, %dma_wait3A_106] : memref<10112x128xf32, #tpu.memory_space<vmem_shared>> -> memref<10112x128xf32, #tpu.memory_space<vmem_shared>>
        tpu.wait_indirect_dma semaphore(%arg14 : memref<!tpu.dma_semaphore, #tpu.memory_space<semaphore_mem>>) src(%arg9 : memref<64x128xf32, #tpu.memory_space<vmem>>) dst(%dma_wait3A_107 : memref<10112x128xf32, #tpu.memory_space<vmem_shared>>)
        %lt3A_108 = arith.constant 19 : i32
        %lt3A_109 = arith.cmpi slt, %scan3A_54, %lt3A_108 : i32
        %convert_element_type3A_110 = arith.extui %lt3A_109 : i1 to i32
        %cond3A_111 = arith.constant 0 : i32
        %cond3A_112 = arith.cmpi ne, %convert_element_type3A_110, %cond3A_111 : i32
        scf.if %cond3A_112 {
          %add3A_175 = arith.constant 4 : i32
          %add3A_176 = arith.addi %add3A_85, %add3A_175 : i32
          %mul3A_177 = arith.constant 64 : i32
          %mul3A_178 = arith.muli %add3A_176, %mul3A_177 : i32
          %dma_start3A_179 = tpu.memref_slice %arg6[%mul3A_178] : memref<5120xi32, #tpu.memory_space<vmem>> -> memref<64xi32, #tpu.memory_space<vmem>>
          %dma_start3A_180 = arith.constant 0 : i32
          %dma_start3A_181 = arith.constant 0 : i32
          %dma_start3A_182 = tpu.memref_slice %arg2[%arg0, %dma_start3A_180, %dma_start3A_181] : memref<2x10112x128xf32, #tpu.memory_space<hbm>> -> memref<1x10112x128xf32, #tpu.memory_space<hbm>>
          %dma_start3A_183 = tpu.memref_squeeze %dma_start3A_182 : memref<1x10112x128xf32, #tpu.memory_space<hbm>> -> memref<10112x128xf32, #tpu.memory_space<hbm>>
          %dma_start3A_184 = arith.constant 0 : i32
          %dma_start3A_185 = arith.constant 0 : i32
          %dma_start3A_186 = tpu.memref_slice %dma_start3A_183[%dma_start3A_184, %dma_start3A_185] : memref<10112x128xf32, #tpu.memory_space<hbm>> -> memref<10112x128xf32, #tpu.memory_space<hbm>>
          tpu.enqueue_indirect_dma source(%dma_start3A_186 : memref<10112x128xf32, #tpu.memory_space<hbm>>) target(%arg9 : memref<64x128xf32, #tpu.memory_space<vmem>>) offsets(%dma_start3A_179 : memref<64xi32, #tpu.memory_space<vmem>>) semaphore(%arg13 : memref<!tpu.dma_semaphore, #tpu.memory_space<semaphore_mem>>)
        } else {
        }
        %mul3A_113 = arith.constant 4 : i32
        %mul3A_114 = arith.muli %mul3A_113, %scan3A_54 : i32
        %add3A_115 = arith.constant 2 : i32
        %add3A_116 = arith.addi %mul3A_114, %add3A_115 : i32
        %mul3A_117 = arith.constant 64 : i32
        %mul3A_118 = arith.muli %add3A_116, %mul3A_117 : i32
        %dma_wait3A_119 = tpu.memref_slice %arg6[%mul3A_118] : memref<5120xi32, #tpu.memory_space<vmem>> -> memref<64xi32, #tpu.memory_space<vmem>>
        %dma_wait3A_120 = arith.constant 0 : i32
        %dma_wait3A_121 = arith.constant 0 : i32
        %dma_wait3A_122 = tpu.memref_slice %arg2[%arg0, %dma_wait3A_120, %dma_wait3A_121] : memref<2x10112x128xf32, #tpu.memory_space<hbm>> -> memref<1x10112x128xf32, #tpu.memory_space<hbm>>
        %dma_wait3A_123 = tpu.memref_squeeze %dma_wait3A_122 : memref<1x10112x128xf32, #tpu.memory_space<hbm>> -> memref<10112x128xf32, #tpu.memory_space<hbm>>
        %dma_wait3A_124 = arith.constant 0 : i32
        %dma_wait3A_125 = arith.constant 0 : i32
        %dma_wait3A_126 = tpu.memref_slice %dma_wait3A_123[%dma_wait3A_124, %dma_wait3A_125] : memref<10112x128xf32, #tpu.memory_space<hbm>> -> memref<10112x128xf32, #tpu.memory_space<hbm>>
        tpu.wait_indirect_dma semaphore(%arg13 : memref<!tpu.dma_semaphore, #tpu.memory_space<semaphore_mem>>) src(%dma_wait3A_126 : memref<10112x128xf32, #tpu.memory_space<hbm>>) dst(%arg10 : memref<64x128xf32, #tpu.memory_space<vmem>>)
        %mul3A_127 = arith.constant 64 : i32
        %mul3A_128 = arith.muli %add3A_116, %mul3A_127 : i32
        %dma_start3A_129 = tpu.memref_slice %arg7[%mul3A_128] : memref<5120xi32, #tpu.memory_space<vmem>> -> memref<64xi32, #tpu.memory_space<vmem>>
        %dma_start3A_130 = arith.constant 0 : i32
        %dma_start3A_131 = arith.constant 0 : i32
        %dma_start3A_132 = tpu.memref_slice %arg12[%dma_start3A_130, %dma_start3A_131] : memref<10112x128xf32, #tpu.memory_space<vmem_shared>> -> memref<10112x128xf32, #tpu.memory_space<vmem_shared>>
        tpu.enqueue_indirect_dma source(%arg10 : memref<64x128xf32, #tpu.memory_space<vmem>>) target(%dma_start3A_132 : memref<10112x128xf32, #tpu.memory_space<vmem_shared>>) offsets(%dma_start3A_129 : memref<64xi32, #tpu.memory_space<vmem>>) semaphore(%arg14 : memref<!tpu.dma_semaphore, #tpu.memory_space<semaphore_mem>>) {add = true}
        %mul3A_133 = arith.constant 64 : i32
        %mul3A_134 = arith.muli %add3A_116, %mul3A_133 : i32
        %dma_wait3A_135 = tpu.memref_slice %arg7[%mul3A_134] : memref<5120xi32, #tpu.memory_space<vmem>> -> memref<64xi32, #tpu.memory_space<vmem>>
        %dma_wait3A_136 = arith.constant 0 : i32
        %dma_wait3A_137 = arith.constant 0 : i32
        %dma_wait3A_138 = tpu.memref_slice %arg12[%dma_wait3A_136, %dma_wait3A_137] : memref<10112x128xf32, #tpu.memory_space<vmem_shared>> -> memref<10112x128xf32, #tpu.memory_space<vmem_shared>>
        tpu.wait_indirect_dma semaphore(%arg14 : memref<!tpu.dma_semaphore, #tpu.memory_space<semaphore_mem>>) src(%arg10 : memref<64x128xf32, #tpu.memory_space<vmem>>) dst(%dma_wait3A_138 : memref<10112x128xf32, #tpu.memory_space<vmem_shared>>)
        %lt3A_139 = arith.constant 19 : i32
        %lt3A_140 = arith.cmpi slt, %scan3A_54, %lt3A_139 : i32
        %convert_element_type3A_141 = arith.extui %lt3A_140 : i1 to i32
        %cond3A_142 = arith.constant 0 : i32
        %cond3A_143 = arith.cmpi ne, %convert_element_type3A_141, %cond3A_142 : i32
        scf.if %cond3A_143 {
          %add3A_175 = arith.constant 4 : i32
          %add3A_176 = arith.addi %add3A_116, %add3A_175 : i32
          %mul3A_177 = arith.constant 64 : i32
          %mul3A_178 = arith.muli %add3A_176, %mul3A_177 : i32
          %dma_start3A_179 = tpu.memref_slice %arg6[%mul3A_178] : memref<5120xi32, #tpu.memory_space<vmem>> -> memref<64xi32, #tpu.memory_space<vmem>>
          %dma_start3A_180 = arith.constant 0 : i32
          %dma_start3A_181 = arith.constant 0 : i32
          %dma_start3A_182 = tpu.memref_slice %arg2[%arg0, %dma_start3A_180, %dma_start3A_181] : memref<2x10112x128xf32, #tpu.memory_space<hbm>> -> memref<1x10112x128xf32, #tpu.memory_space<hbm>>
          %dma_start3A_183 = tpu.memref_squeeze %dma_start3A_182 : memref<1x10112x128xf32, #tpu.memory_space<hbm>> -> memref<10112x128xf32, #tpu.memory_space<hbm>>
          %dma_start3A_184 = arith.constant 0 : i32
          %dma_start3A_185 = arith.constant 0 : i32
          %dma_start3A_186 = tpu.memref_slice %dma_start3A_183[%dma_start3A_184, %dma_start3A_185] : memref<10112x128xf32, #tpu.memory_space<hbm>> -> memref<10112x128xf32, #tpu.memory_space<hbm>>
          tpu.enqueue_indirect_dma source(%dma_start3A_186 : memref<10112x128xf32, #tpu.memory_space<hbm>>) target(%arg10 : memref<64x128xf32, #tpu.memory_space<vmem>>) offsets(%dma_start3A_179 : memref<64xi32, #tpu.memory_space<vmem>>) semaphore(%arg13 : memref<!tpu.dma_semaphore, #tpu.memory_space<semaphore_mem>>)
        } else {
        }
        %mul3A_144 = arith.constant 4 : i32
        %mul3A_145 = arith.muli %mul3A_144, %scan3A_54 : i32
        %add3A_146 = arith.constant 3 : i32
        %add3A_147 = arith.addi %mul3A_145, %add3A_146 : i32
        %mul3A_148 = arith.constant 64 : i32
        %mul3A_149 = arith.muli %add3A_147, %mul3A_148 : i32
        %dma_wait3A_150 = tpu.memref_slice %arg6[%mul3A_149] : memref<5120xi32, #tpu.memory_space<vmem>> -> memref<64xi32, #tpu.memory_space<vmem>>
        %dma_wait3A_151 = arith.constant 0 : i32
        %dma_wait3A_152 = arith.constant 0 : i32
        %dma_wait3A_153 = tpu.memref_slice %arg2[%arg0, %dma_wait3A_151, %dma_wait3A_152] : memref<2x10112x128xf32, #tpu.memory_space<hbm>> -> memref<1x10112x128xf32, #tpu.memory_space<hbm>>
        %dma_wait3A_154 = tpu.memref_squeeze %dma_wait3A_153 : memref<1x10112x128xf32, #tpu.memory_space<hbm>> -> memref<10112x128xf32, #tpu.memory_space<hbm>>
        %dma_wait3A_155 = arith.constant 0 : i32
        %dma_wait3A_156 = arith.constant 0 : i32
        %dma_wait3A_157 = tpu.memref_slice %dma_wait3A_154[%dma_wait3A_155, %dma_wait3A_156] : memref<10112x128xf32, #tpu.memory_space<hbm>> -> memref<10112x128xf32, #tpu.memory_space<hbm>>
        tpu.wait_indirect_dma semaphore(%arg13 : memref<!tpu.dma_semaphore, #tpu.memory_space<semaphore_mem>>) src(%dma_wait3A_157 : memref<10112x128xf32, #tpu.memory_space<hbm>>) dst(%arg11 : memref<64x128xf32, #tpu.memory_space<vmem>>)
        %mul3A_158 = arith.constant 64 : i32
        %mul3A_159 = arith.muli %add3A_147, %mul3A_158 : i32
        %dma_start3A_160 = tpu.memref_slice %arg7[%mul3A_159] : memref<5120xi32, #tpu.memory_space<vmem>> -> memref<64xi32, #tpu.memory_space<vmem>>
        %dma_start3A_161 = arith.constant 0 : i32
        %dma_start3A_162 = arith.constant 0 : i32
        %dma_start3A_163 = tpu.memref_slice %arg12[%dma_start3A_161, %dma_start3A_162] : memref<10112x128xf32, #tpu.memory_space<vmem_shared>> -> memref<10112x128xf32, #tpu.memory_space<vmem_shared>>
        tpu.enqueue_indirect_dma source(%arg11 : memref<64x128xf32, #tpu.memory_space<vmem>>) target(%dma_start3A_163 : memref<10112x128xf32, #tpu.memory_space<vmem_shared>>) offsets(%dma_start3A_160 : memref<64xi32, #tpu.memory_space<vmem>>) semaphore(%arg14 : memref<!tpu.dma_semaphore, #tpu.memory_space<semaphore_mem>>) {add = true}
        %mul3A_164 = arith.constant 64 : i32
        %mul3A_165 = arith.muli %add3A_147, %mul3A_164 : i32
        %dma_wait3A_166 = tpu.memref_slice %arg7[%mul3A_165] : memref<5120xi32, #tpu.memory_space<vmem>> -> memref<64xi32, #tpu.memory_space<vmem>>
        %dma_wait3A_167 = arith.constant 0 : i32
        %dma_wait3A_168 = arith.constant 0 : i32
        %dma_wait3A_169 = tpu.memref_slice %arg12[%dma_wait3A_167, %dma_wait3A_168] : memref<10112x128xf32, #tpu.memory_space<vmem_shared>> -> memref<10112x128xf32, #tpu.memory_space<vmem_shared>>
        tpu.wait_indirect_dma semaphore(%arg14 : memref<!tpu.dma_semaphore, #tpu.memory_space<semaphore_mem>>) src(%arg11 : memref<64x128xf32, #tpu.memory_space<vmem>>) dst(%dma_wait3A_169 : memref<10112x128xf32, #tpu.memory_space<vmem_shared>>)
        %lt3A_170 = arith.constant 19 : i32
        %lt3A_171 = arith.cmpi slt, %scan3A_54, %lt3A_170 : i32
        %convert_element_type3A_172 = arith.extui %lt3A_171 : i1 to i32
        %cond3A_173 = arith.constant 0 : i32
        %cond3A_174 = arith.cmpi ne, %convert_element_type3A_172, %cond3A_173 : i32
        scf.if %cond3A_174 {
          %add3A_175 = arith.constant 4 : i32
          %add3A_176 = arith.addi %add3A_147, %add3A_175 : i32
          %mul3A_177 = arith.constant 64 : i32
          %mul3A_178 = arith.muli %add3A_176, %mul3A_177 : i32
          %dma_start3A_179 = tpu.memref_slice %arg6[%mul3A_178] : memref<5120xi32, #tpu.memory_space<vmem>> -> memref<64xi32, #tpu.memory_space<vmem>>
          %dma_start3A_180 = arith.constant 0 : i32
          %dma_start3A_181 = arith.constant 0 : i32
          %dma_start3A_182 = tpu.memref_slice %arg2[%arg0, %dma_start3A_180, %dma_start3A_181] : memref<2x10112x128xf32, #tpu.memory_space<hbm>> -> memref<1x10112x128xf32, #tpu.memory_space<hbm>>
          %dma_start3A_183 = tpu.memref_squeeze %dma_start3A_182 : memref<1x10112x128xf32, #tpu.memory_space<hbm>> -> memref<10112x128xf32, #tpu.memory_space<hbm>>
          %dma_start3A_184 = arith.constant 0 : i32
          %dma_start3A_185 = arith.constant 0 : i32
          %dma_start3A_186 = tpu.memref_slice %dma_start3A_183[%dma_start3A_184, %dma_start3A_185] : memref<10112x128xf32, #tpu.memory_space<hbm>> -> memref<10112x128xf32, #tpu.memory_space<hbm>>
          tpu.enqueue_indirect_dma source(%dma_start3A_186 : memref<10112x128xf32, #tpu.memory_space<hbm>>) target(%arg11 : memref<64x128xf32, #tpu.memory_space<vmem>>) offsets(%dma_start3A_179 : memref<64xi32, #tpu.memory_space<vmem>>) semaphore(%arg13 : memref<!tpu.dma_semaphore, #tpu.memory_space<semaphore_mem>>)
        } else {
        }
      }
      %scan3A_53 = arith.constant 20 : i32
    }
    %scan3A_4 = arith.constant 2 : i32
    %barrier3A_5 = arith.constant 0 : index
    tpu.barrier barrier_id(%barrier3A_5)
    "tpu.region"() ({
      %run_scoped3A = tpu.sem_alloc : memref<!tpu.dma_semaphore, #tpu.memory_space<semaphore_mem>>
      %dma_start3A = arith.constant 0 : i32
      %dma_start3A_6 = arith.constant 0 : i32
      %dma_start3A_7 = tpu.memref_slice %arg5[%arg0, %dma_start3A, %dma_start3A_6] : memref<2x10112x128xf32, #tpu.memory_space<hbm>> -> memref<1x10112x128xf32, #tpu.memory_space<hbm>>
      %dma_start3A_8 = tpu.memref_squeeze %dma_start3A_7 : memref<1x10112x128xf32, #tpu.memory_space<hbm>> -> memref<10112x128xf32, #tpu.memory_space<hbm>>
      %dma_start3A_9 = arith.constant 0 : i32
      %dma_start3A_10 = tpu.memref_slice %dma_start3A_8[%mul3A_0, %dma_start3A_9] : memref<10112x128xf32, #tpu.memory_space<hbm>> -> memref<632x128xf32, #tpu.memory_space<hbm>>
      %dma_start3A_11 = arith.constant 0 : i32
      %dma_start3A_12 = tpu.memref_slice %arg12[%mul3A_0, %dma_start3A_11] : memref<10112x128xf32, #tpu.memory_space<vmem_shared>> -> memref<632x128xf32, #tpu.memory_space<vmem_shared>>
      tpu.enqueue_dma source(%dma_start3A_12 : memref<632x128xf32, #tpu.memory_space<vmem_shared>>) target(%dma_start3A_10 : memref<632x128xf32, #tpu.memory_space<hbm>>) target_semaphore(%run_scoped3A : memref<!tpu.dma_semaphore, #tpu.memory_space<semaphore_mem>>)
      %dma_wait3A = arith.constant 0 : i32
      %dma_wait3A_13 = arith.constant 0 : i32
      %dma_wait3A_14 = tpu.memref_slice %arg5[%arg0, %dma_wait3A, %dma_wait3A_13] : memref<2x10112x128xf32, #tpu.memory_space<hbm>> -> memref<1x10112x128xf32, #tpu.memory_space<hbm>>
      %dma_wait3A_15 = tpu.memref_squeeze %dma_wait3A_14 : memref<1x10112x128xf32, #tpu.memory_space<hbm>> -> memref<10112x128xf32, #tpu.memory_space<hbm>>
      %dma_wait3A_16 = arith.constant 0 : i32
      %dma_wait3A_17 = tpu.memref_slice %dma_wait3A_15[%mul3A_0, %dma_wait3A_16] : memref<10112x128xf32, #tpu.memory_space<hbm>> -> memref<632x128xf32, #tpu.memory_space<hbm>>
      %dma_wait3A_18 = arith.constant 0 : i32
      %dma_wait3A_19 = tpu.memref_slice %arg12[%mul3A_0, %dma_wait3A_18] : memref<10112x128xf32, #tpu.memory_space<vmem_shared>> -> memref<632x128xf32, #tpu.memory_space<vmem_shared>>
      tpu.wait_dma2 semaphore(%run_scoped3A : memref<!tpu.dma_semaphore, #tpu.memory_space<semaphore_mem>>) src(%dma_wait3A_19 : memref<632x128xf32, #tpu.memory_space<vmem_shared>>) dst(%dma_wait3A_17 : memref<632x128xf32, #tpu.memory_space<hbm>>)
      tpu.yield
    }) : () -> ()
    return
  }
}

#map = affine_map<(d0, d1) -> (0, 0)>
#map1 = affine_map<(d0, d1) -> (0, 0, 0)>
module attributes {stable_mosaic.version = 14 : i64} {
  func.func @_deg_kernel(%arg0: i32, %arg1: i32, %arg2: memref<2x163840xi32, #tpu.memory_space<hbm>>, %arg3: memref<128x128xf32, #tpu.memory_space<hbm>>, %arg4: memref<632x128xf32, #tpu.memory_space<hbm>>, %arg5: memref<2x10112x128xf32, #tpu.memory_space<hbm>>, %arg6: memref<10240xi32, #tpu.memory_space<vmem>>, %arg7: memref<128x128xf32, #tpu.memory_space<vmem>>, %arg8: memref<10112x128xf32, #tpu.memory_space<vmem_shared>>) attributes {dimension_semantics = [#tpu.dimension_semantics<core_parallel>, #tpu.dimension_semantics<subcore_parallel>], iteration_bounds = array<i64: 2, 16>, scalar_prefetch = 0 : i64, scratch_operands = 3 : i64, tpu.core_type = #tpu.core_type<sc_vector_subcore>, window_params = [{transform_indices = #map}, {transform_indices = #map}, {transform_indices = #map}, {transform_indices = #map1}]} {
    %mul3A = arith.constant 632 : i32
    %mul3A_0 = arith.muli %arg1, %mul3A : i32
    %mul3A_1 = arith.constant 80 : i32
    %mul3A_2 = arith.muli %arg1, %mul3A_1 : i32
    %mul3A_3 = arith.constant 128 : i32
    %mul3A_4 = arith.muli %mul3A_2, %mul3A_3 : i32
    "tpu.region"() ({
      %run_scoped3A = tpu.sem_alloc : memref<!tpu.dma_semaphore, #tpu.memory_space<semaphore_mem>>
      %dma_start3A = arith.constant 0 : i32
      %dma_start3A_27 = tpu.memref_slice %arg8[%mul3A_0, %dma_start3A] : memref<10112x128xf32, #tpu.memory_space<vmem_shared>> -> memref<632x128xf32, #tpu.memory_space<vmem_shared>>
      tpu.enqueue_dma source(%arg4 : memref<632x128xf32, #tpu.memory_space<hbm>>) target(%dma_start3A_27 : memref<632x128xf32, #tpu.memory_space<vmem_shared>>) target_semaphore(%run_scoped3A : memref<!tpu.dma_semaphore, #tpu.memory_space<semaphore_mem>>)
      %dma_wait3A = arith.constant 0 : i32
      %dma_wait3A_28 = tpu.memref_slice %arg8[%mul3A_0, %dma_wait3A] : memref<10112x128xf32, #tpu.memory_space<vmem_shared>> -> memref<632x128xf32, #tpu.memory_space<vmem_shared>>
      tpu.wait_dma2 semaphore(%run_scoped3A : memref<!tpu.dma_semaphore, #tpu.memory_space<semaphore_mem>>) src(%arg4 : memref<632x128xf32, #tpu.memory_space<hbm>>) dst(%dma_wait3A_28 : memref<632x128xf32, #tpu.memory_space<vmem_shared>>)
      tpu.yield
    }) : () -> ()
    "tpu.region"() ({
      %run_scoped3A = tpu.sem_alloc : memref<!tpu.dma_semaphore, #tpu.memory_space<semaphore_mem>>
      tpu.enqueue_dma source(%arg3 : memref<128x128xf32, #tpu.memory_space<hbm>>) target(%arg7 : memref<128x128xf32, #tpu.memory_space<vmem>>) target_semaphore(%run_scoped3A : memref<!tpu.dma_semaphore, #tpu.memory_space<semaphore_mem>>)
      tpu.wait_dma2 semaphore(%run_scoped3A : memref<!tpu.dma_semaphore, #tpu.memory_space<semaphore_mem>>) src(%arg3 : memref<128x128xf32, #tpu.memory_space<hbm>>) dst(%arg7 : memref<128x128xf32, #tpu.memory_space<vmem>>)
      tpu.yield
    }) : () -> ()
    %eq3A = arith.constant 0 : i32
    %eq3A_5 = arith.cmpi eq, %arg0, %eq3A : i32
    %convert_element_type3A = arith.extui %eq3A_5 : i1 to i32
    %cond3A = arith.constant 0 : i32
    %cond3A_6 = arith.cmpi ne, %convert_element_type3A, %cond3A : i32
    scf.if %cond3A_6 {
      %run_scoped3A = arith.constant 0 : i32
      "tpu.region"() ({
        %run_scoped3A_27 = tpu.sem_alloc : memref<!tpu.dma_semaphore, #tpu.memory_space<semaphore_mem>>
        %dma_start3A = arith.constant 0 : i32
        %dma_start3A_28 = tpu.memref_slice %arg2[%run_scoped3A, %dma_start3A] : memref<2x163840xi32, #tpu.memory_space<hbm>> -> memref<1x163840xi32, #tpu.memory_space<hbm>>
        %dma_start3A_29 = tpu.memref_squeeze %dma_start3A_28 : memref<1x163840xi32, #tpu.memory_space<hbm>> -> memref<163840xi32, #tpu.memory_space<hbm>>
        %dma_start3A_30 = tpu.memref_slice %dma_start3A_29[%mul3A_4] : memref<163840xi32, #tpu.memory_space<hbm>> -> memref<10240xi32, #tpu.memory_space<hbm>>
        %dma_start3A_31 = arith.constant 0 : i32
        %dma_start3A_32 = tpu.memref_slice %arg2[%run_scoped3A, %dma_start3A_31] : memref<2x163840xi32, #tpu.memory_space<hbm>> -> memref<1x163840xi32, #tpu.memory_space<hbm>>
        %dma_start3A_33 = tpu.memref_squeeze %dma_start3A_32 : memref<1x163840xi32, #tpu.memory_space<hbm>> -> memref<163840xi32, #tpu.memory_space<hbm>>
        %dma_start3A_34 = tpu.memref_slice %dma_start3A_33[%mul3A_4] : memref<163840xi32, #tpu.memory_space<hbm>> -> memref<10240xi32, #tpu.memory_space<hbm>>
        tpu.enqueue_dma source(%dma_start3A_34 : memref<10240xi32, #tpu.memory_space<hbm>>) target(%arg6 : memref<10240xi32, #tpu.memory_space<vmem>>) target_semaphore(%run_scoped3A_27 : memref<!tpu.dma_semaphore, #tpu.memory_space<semaphore_mem>>)
        %dma_wait3A = arith.constant 0 : i32
        %dma_wait3A_35 = tpu.memref_slice %arg2[%run_scoped3A, %dma_wait3A] : memref<2x163840xi32, #tpu.memory_space<hbm>> -> memref<1x163840xi32, #tpu.memory_space<hbm>>
        %dma_wait3A_36 = tpu.memref_squeeze %dma_wait3A_35 : memref<1x163840xi32, #tpu.memory_space<hbm>> -> memref<163840xi32, #tpu.memory_space<hbm>>
        %dma_wait3A_37 = tpu.memref_slice %dma_wait3A_36[%mul3A_4] : memref<163840xi32, #tpu.memory_space<hbm>> -> memref<10240xi32, #tpu.memory_space<hbm>>
        %dma_wait3A_38 = arith.constant 0 : i32
        %dma_wait3A_39 = tpu.memref_slice %arg2[%run_scoped3A, %dma_wait3A_38] : memref<2x163840xi32, #tpu.memory_space<hbm>> -> memref<1x163840xi32, #tpu.memory_space<hbm>>
        %dma_wait3A_40 = tpu.memref_squeeze %dma_wait3A_39 : memref<1x163840xi32, #tpu.memory_space<hbm>> -> memref<163840xi32, #tpu.memory_space<hbm>>
        %dma_wait3A_41 = tpu.memref_slice %dma_wait3A_40[%mul3A_4] : memref<163840xi32, #tpu.memory_space<hbm>> -> memref<10240xi32, #tpu.memory_space<hbm>>
        tpu.wait_dma2 semaphore(%run_scoped3A_27 : memref<!tpu.dma_semaphore, #tpu.memory_space<semaphore_mem>>) src(%dma_wait3A_41 : memref<10240xi32, #tpu.memory_space<hbm>>) dst(%arg6 : memref<10240xi32, #tpu.memory_space<vmem>>)
        tpu.yield
      }) : () -> ()
    } else {
    }
    %eq3A_7 = arith.constant 1 : i32
    %eq3A_8 = arith.cmpi eq, %arg0, %eq3A_7 : i32
    %convert_element_type3A_9 = arith.extui %eq3A_8 : i1 to i32
    %cond3A_10 = arith.constant 0 : i32
    %cond3A_11 = arith.cmpi ne, %convert_element_type3A_9, %cond3A_10 : i32
    scf.if %cond3A_11 {
      %run_scoped3A = arith.constant 1 : i32
      "tpu.region"() ({
        %run_scoped3A_27 = tpu.sem_alloc : memref<!tpu.dma_semaphore, #tpu.memory_space<semaphore_mem>>
        %dma_start3A = arith.constant 0 : i32
        %dma_start3A_28 = tpu.memref_slice %arg2[%run_scoped3A, %dma_start3A] : memref<2x163840xi32, #tpu.memory_space<hbm>> -> memref<1x163840xi32, #tpu.memory_space<hbm>>
        %dma_start3A_29 = tpu.memref_squeeze %dma_start3A_28 : memref<1x163840xi32, #tpu.memory_space<hbm>> -> memref<163840xi32, #tpu.memory_space<hbm>>
        %dma_start3A_30 = tpu.memref_slice %dma_start3A_29[%mul3A_4] : memref<163840xi32, #tpu.memory_space<hbm>> -> memref<10240xi32, #tpu.memory_space<hbm>>
        %dma_start3A_31 = arith.constant 0 : i32
        %dma_start3A_32 = tpu.memref_slice %arg2[%run_scoped3A, %dma_start3A_31] : memref<2x163840xi32, #tpu.memory_space<hbm>> -> memref<1x163840xi32, #tpu.memory_space<hbm>>
        %dma_start3A_33 = tpu.memref_squeeze %dma_start3A_32 : memref<1x163840xi32, #tpu.memory_space<hbm>> -> memref<163840xi32, #tpu.memory_space<hbm>>
        %dma_start3A_34 = tpu.memref_slice %dma_start3A_33[%mul3A_4] : memref<163840xi32, #tpu.memory_space<hbm>> -> memref<10240xi32, #tpu.memory_space<hbm>>
        tpu.enqueue_dma source(%dma_start3A_34 : memref<10240xi32, #tpu.memory_space<hbm>>) target(%arg6 : memref<10240xi32, #tpu.memory_space<vmem>>) target_semaphore(%run_scoped3A_27 : memref<!tpu.dma_semaphore, #tpu.memory_space<semaphore_mem>>)
        %dma_wait3A = arith.constant 0 : i32
        %dma_wait3A_35 = tpu.memref_slice %arg2[%run_scoped3A, %dma_wait3A] : memref<2x163840xi32, #tpu.memory_space<hbm>> -> memref<1x163840xi32, #tpu.memory_space<hbm>>
        %dma_wait3A_36 = tpu.memref_squeeze %dma_wait3A_35 : memref<1x163840xi32, #tpu.memory_space<hbm>> -> memref<163840xi32, #tpu.memory_space<hbm>>
        %dma_wait3A_37 = tpu.memref_slice %dma_wait3A_36[%mul3A_4] : memref<163840xi32, #tpu.memory_space<hbm>> -> memref<10240xi32, #tpu.memory_space<hbm>>
        %dma_wait3A_38 = arith.constant 0 : i32
        %dma_wait3A_39 = tpu.memref_slice %arg2[%run_scoped3A, %dma_wait3A_38] : memref<2x163840xi32, #tpu.memory_space<hbm>> -> memref<1x163840xi32, #tpu.memory_space<hbm>>
        %dma_wait3A_40 = tpu.memref_squeeze %dma_wait3A_39 : memref<1x163840xi32, #tpu.memory_space<hbm>> -> memref<163840xi32, #tpu.memory_space<hbm>>
        %dma_wait3A_41 = tpu.memref_slice %dma_wait3A_40[%mul3A_4] : memref<163840xi32, #tpu.memory_space<hbm>> -> memref<10240xi32, #tpu.memory_space<hbm>>
        tpu.wait_dma2 semaphore(%run_scoped3A_27 : memref<!tpu.dma_semaphore, #tpu.memory_space<semaphore_mem>>) src(%dma_wait3A_41 : memref<10240xi32, #tpu.memory_space<hbm>>) dst(%arg6 : memref<10240xi32, #tpu.memory_space<vmem>>)
        tpu.yield
      }) : () -> ()
    } else {
    }
    %barrier3A = arith.constant 0 : index
    tpu.barrier barrier_id(%barrier3A)
    %scan3A = arith.constant 0 : i32
    %scan3A_12 = arith.constant 80 : i32
    %scan3A_13 = arith.addi %scan3A, %scan3A_12 : i32
    %scan3A_14 = arith.constant 1 : i32
    scf.for %scan3A_27 = %scan3A to %scan3A_13 step %scan3A_14  : i32 {
      %mul3A_28 = arith.constant 128 : i32
      %mul3A_29 = arith.muli %scan3A_27, %mul3A_28 : i32
      "tpu.region"() ({
        %run_scoped3A = tpu.sem_alloc : memref<!tpu.dma_semaphore, #tpu.memory_space<semaphore_mem>>
        %dma_start3A = tpu.memref_slice %arg6[%mul3A_29] : memref<10240xi32, #tpu.memory_space<vmem>> -> memref<128xi32, #tpu.memory_space<vmem>>
        %dma_start3A_30 = arith.constant 0 : i32
        %dma_start3A_31 = arith.constant 0 : i32
        %dma_start3A_32 = tpu.memref_slice %arg8[%dma_start3A_30, %dma_start3A_31] : memref<10112x128xf32, #tpu.memory_space<vmem_shared>> -> memref<10112x128xf32, #tpu.memory_space<vmem_shared>>
        tpu.enqueue_indirect_dma source(%arg7 : memref<128x128xf32, #tpu.memory_space<vmem>>) target(%dma_start3A_32 : memref<10112x128xf32, #tpu.memory_space<vmem_shared>>) offsets(%dma_start3A : memref<128xi32, #tpu.memory_space<vmem>>) semaphore(%run_scoped3A : memref<!tpu.dma_semaphore, #tpu.memory_space<semaphore_mem>>) {add = true}
        %dma_wait3A = tpu.memref_slice %arg6[%mul3A_29] : memref<10240xi32, #tpu.memory_space<vmem>> -> memref<128xi32, #tpu.memory_space<vmem>>
        %dma_wait3A_33 = arith.constant 0 : i32
        %dma_wait3A_34 = arith.constant 0 : i32
        %dma_wait3A_35 = tpu.memref_slice %arg8[%dma_wait3A_33, %dma_wait3A_34] : memref<10112x128xf32, #tpu.memory_space<vmem_shared>> -> memref<10112x128xf32, #tpu.memory_space<vmem_shared>>
        tpu.wait_indirect_dma semaphore(%run_scoped3A : memref<!tpu.dma_semaphore, #tpu.memory_space<semaphore_mem>>) src(%arg7 : memref<128x128xf32, #tpu.memory_space<vmem>>) dst(%dma_wait3A_35 : memref<10112x128xf32, #tpu.memory_space<vmem_shared>>)
        tpu.yield
      }) : () -> ()
    }
    %scan3A_15 = arith.constant 80 : i32
    %barrier3A_16 = arith.constant 0 : index
    tpu.barrier barrier_id(%barrier3A_16)
    %eq3A_17 = arith.constant 0 : i32
    %eq3A_18 = arith.cmpi eq, %arg0, %eq3A_17 : i32
    %convert_element_type3A_19 = arith.extui %eq3A_18 : i1 to i32
    %cond3A_20 = arith.constant 0 : i32
    %cond3A_21 = arith.cmpi ne, %convert_element_type3A_19, %cond3A_20 : i32
    scf.if %cond3A_21 {
      %run_scoped3A = arith.constant 0 : i32
      "tpu.region"() ({
        %run_scoped3A_27 = tpu.sem_alloc : memref<!tpu.dma_semaphore, #tpu.memory_space<semaphore_mem>>
        %dma_start3A = arith.constant 0 : i32
        %dma_start3A_28 = arith.constant 0 : i32
        %dma_start3A_29 = tpu.memref_slice %arg5[%run_scoped3A, %dma_start3A, %dma_start3A_28] : memref<2x10112x128xf32, #tpu.memory_space<hbm>> -> memref<1x10112x128xf32, #tpu.memory_space<hbm>>
        %dma_start3A_30 = tpu.memref_squeeze %dma_start3A_29 : memref<1x10112x128xf32, #tpu.memory_space<hbm>> -> memref<10112x128xf32, #tpu.memory_space<hbm>>
        %dma_start3A_31 = arith.constant 0 : i32
        %dma_start3A_32 = tpu.memref_slice %dma_start3A_30[%mul3A_0, %dma_start3A_31] : memref<10112x128xf32, #tpu.memory_space<hbm>> -> memref<632x128xf32, #tpu.memory_space<hbm>>
        %dma_start3A_33 = arith.constant 0 : i32
        %dma_start3A_34 = tpu.memref_slice %arg8[%mul3A_0, %dma_start3A_33] : memref<10112x128xf32, #tpu.memory_space<vmem_shared>> -> memref<632x128xf32, #tpu.memory_space<vmem_shared>>
        tpu.enqueue_dma source(%dma_start3A_34 : memref<632x128xf32, #tpu.memory_space<vmem_shared>>) target(%dma_start3A_32 : memref<632x128xf32, #tpu.memory_space<hbm>>) target_semaphore(%run_scoped3A_27 : memref<!tpu.dma_semaphore, #tpu.memory_space<semaphore_mem>>)
        %dma_wait3A = arith.constant 0 : i32
        %dma_wait3A_35 = arith.constant 0 : i32
        %dma_wait3A_36 = tpu.memref_slice %arg5[%run_scoped3A, %dma_wait3A, %dma_wait3A_35] : memref<2x10112x128xf32, #tpu.memory_space<hbm>> -> memref<1x10112x128xf32, #tpu.memory_space<hbm>>
        %dma_wait3A_37 = tpu.memref_squeeze %dma_wait3A_36 : memref<1x10112x128xf32, #tpu.memory_space<hbm>> -> memref<10112x128xf32, #tpu.memory_space<hbm>>
        %dma_wait3A_38 = arith.constant 0 : i32
        %dma_wait3A_39 = tpu.memref_slice %dma_wait3A_37[%mul3A_0, %dma_wait3A_38] : memref<10112x128xf32, #tpu.memory_space<hbm>> -> memref<632x128xf32, #tpu.memory_space<hbm>>
        %dma_wait3A_40 = arith.constant 0 : i32
        %dma_wait3A_41 = tpu.memref_slice %arg8[%mul3A_0, %dma_wait3A_40] : memref<10112x128xf32, #tpu.memory_space<vmem_shared>> -> memref<632x128xf32, #tpu.memory_space<vmem_shared>>
        tpu.wait_dma2 semaphore(%run_scoped3A_27 : memref<!tpu.dma_semaphore, #tpu.memory_space<semaphore_mem>>) src(%dma_wait3A_41 : memref<632x128xf32, #tpu.memory_space<vmem_shared>>) dst(%dma_wait3A_39 : memref<632x128xf32, #tpu.memory_space<hbm>>)
        tpu.yield
      }) : () -> ()
    } else {
    }
    %eq3A_22 = arith.constant 1 : i32
    %eq3A_23 = arith.cmpi eq, %arg0, %eq3A_22 : i32
    %convert_element_type3A_24 = arith.extui %eq3A_23 : i1 to i32
    %cond3A_25 = arith.constant 0 : i32
    %cond3A_26 = arith.cmpi ne, %convert_element_type3A_24, %cond3A_25 : i32
    scf.if %cond3A_26 {
      %run_scoped3A = arith.constant 1 : i32
      "tpu.region"() ({
        %run_scoped3A_27 = tpu.sem_alloc : memref<!tpu.dma_semaphore, #tpu.memory_space<semaphore_mem>>
        %dma_start3A = arith.constant 0 : i32
        %dma_start3A_28 = arith.constant 0 : i32
        %dma_start3A_29 = tpu.memref_slice %arg5[%run_scoped3A, %dma_start3A, %dma_start3A_28] : memref<2x10112x128xf32, #tpu.memory_space<hbm>> -> memref<1x10112x128xf32, #tpu.memory_space<hbm>>
        %dma_start3A_30 = tpu.memref_squeeze %dma_start3A_29 : memref<1x10112x128xf32, #tpu.memory_space<hbm>> -> memref<10112x128xf32, #tpu.memory_space<hbm>>
        %dma_start3A_31 = arith.constant 0 : i32
        %dma_start3A_32 = tpu.memref_slice %dma_start3A_30[%mul3A_0, %dma_start3A_31] : memref<10112x128xf32, #tpu.memory_space<hbm>> -> memref<632x128xf32, #tpu.memory_space<hbm>>
        %dma_start3A_33 = arith.constant 0 : i32
        %dma_start3A_34 = tpu.memref_slice %arg8[%mul3A_0, %dma_start3A_33] : memref<10112x128xf32, #tpu.memory_space<vmem_shared>> -> memref<632x128xf32, #tpu.memory_space<vmem_shared>>
        tpu.enqueue_dma source(%dma_start3A_34 : memref<632x128xf32, #tpu.memory_space<vmem_shared>>) target(%dma_start3A_32 : memref<632x128xf32, #tpu.memory_space<hbm>>) target_semaphore(%run_scoped3A_27 : memref<!tpu.dma_semaphore, #tpu.memory_space<semaphore_mem>>)
        %dma_wait3A = arith.constant 0 : i32
        %dma_wait3A_35 = arith.constant 0 : i32
        %dma_wait3A_36 = tpu.memref_slice %arg5[%run_scoped3A, %dma_wait3A, %dma_wait3A_35] : memref<2x10112x128xf32, #tpu.memory_space<hbm>> -> memref<1x10112x128xf32, #tpu.memory_space<hbm>>
        %dma_wait3A_37 = tpu.memref_squeeze %dma_wait3A_36 : memref<1x10112x128xf32, #tpu.memory_space<hbm>> -> memref<10112x128xf32, #tpu.memory_space<hbm>>
        %dma_wait3A_38 = arith.constant 0 : i32
        %dma_wait3A_39 = tpu.memref_slice %dma_wait3A_37[%mul3A_0, %dma_wait3A_38] : memref<10112x128xf32, #tpu.memory_space<hbm>> -> memref<632x128xf32, #tpu.memory_space<hbm>>
        %dma_wait3A_40 = arith.constant 0 : i32
        %dma_wait3A_41 = tpu.memref_slice %arg8[%mul3A_0, %dma_wait3A_40] : memref<10112x128xf32, #tpu.memory_space<vmem_shared>> -> memref<632x128xf32, #tpu.memory_space<vmem_shared>>
        tpu.wait_dma2 semaphore(%run_scoped3A_27 : memref<!tpu.dma_semaphore, #tpu.memory_space<semaphore_mem>>) src(%dma_wait3A_41 : memref<632x128xf32, #tpu.memory_space<vmem_shared>>) dst(%dma_wait3A_39 : memref<632x128xf32, #tpu.memory_space<hbm>>)
        tpu.yield
      }) : () -> ()
    } else {
    }
    return
  }
}

#map = affine_map<(d0, d1) -> (0, 0, 0)>
#map1 = affine_map<(d0, d1) -> (0, 0)>
module attributes {stable_mosaic.version = 14 : i64} {
  func.func @_agg_kernel(%arg0: i32, %arg1: i32, %arg2: memref<2x10112x128xf32, #tpu.memory_space<hbm>>, %arg3: memref<2x163840xi32, #tpu.memory_space<hbm>>, %arg4: memref<632x128xf32, #tpu.memory_space<hbm>>, %arg5: memref<2x10112x128xf32, #tpu.memory_space<hbm>>, %arg6: memref<5120xi32, #tpu.memory_space<vmem>>, %arg7: memref<5120xi32, #tpu.memory_space<vmem>>, %arg8: memref<64x128xf32, #tpu.memory_space<vmem>>, %arg9: memref<64x128xf32, #tpu.memory_space<vmem>>, %arg10: memref<64x128xf32, #tpu.memory_space<vmem>>, %arg11: memref<64x128xf32, #tpu.memory_space<vmem>>, %arg12: memref<10112x128xf32, #tpu.memory_space<vmem_shared>>, %arg13: memref<!tpu.dma_semaphore, #tpu.memory_space<semaphore_mem>>, %arg14: memref<!tpu.dma_semaphore, #tpu.memory_space<semaphore_mem>>) attributes {dimension_semantics = [#tpu.dimension_semantics<core_parallel>, #tpu.dimension_semantics<subcore_parallel>], iteration_bounds = array<i64: 2, 16>, scalar_prefetch = 0 : i64, scratch_operands = 9 : i64, tpu.core_type = #tpu.core_type<sc_vector_subcore>, window_params = [{transform_indices = #map}, {transform_indices = #map1}, {transform_indices = #map1}, {transform_indices = #map}]} {
    %mul3A = arith.constant 632 : i32
    %mul3A_0 = arith.muli %arg1, %mul3A : i32
    "tpu.region"() ({
      %run_scoped3A = tpu.sem_alloc : memref<!tpu.dma_semaphore, #tpu.memory_space<semaphore_mem>>
      %dma_start3A = arith.constant 0 : i32
      %dma_start3A_6 = tpu.memref_slice %arg12[%mul3A_0, %dma_start3A] : memref<10112x128xf32, #tpu.memory_space<vmem_shared>> -> memref<632x128xf32, #tpu.memory_space<vmem_shared>>
      tpu.enqueue_dma source(%arg4 : memref<632x128xf32, #tpu.memory_space<hbm>>) target(%dma_start3A_6 : memref<632x128xf32, #tpu.memory_space<vmem_shared>>) target_semaphore(%run_scoped3A : memref<!tpu.dma_semaphore, #tpu.memory_space<semaphore_mem>>)
      %dma_wait3A = arith.constant 0 : i32
      %dma_wait3A_7 = tpu.memref_slice %arg12[%mul3A_0, %dma_wait3A] : memref<10112x128xf32, #tpu.memory_space<vmem_shared>> -> memref<632x128xf32, #tpu.memory_space<vmem_shared>>
      tpu.wait_dma2 semaphore(%run_scoped3A : memref<!tpu.dma_semaphore, #tpu.memory_space<semaphore_mem>>) src(%arg4 : memref<632x128xf32, #tpu.memory_space<hbm>>) dst(%dma_wait3A_7 : memref<632x128xf32, #tpu.memory_space<vmem_shared>>)
      tpu.yield
    }) : () -> ()
    %barrier3A = arith.constant 0 : index
    tpu.barrier barrier_id(%barrier3A)
    %scan3A = arith.constant 0 : i32
    %scan3A_1 = arith.constant 2 : i32
    %scan3A_2 = arith.addi %scan3A, %scan3A_1 : i32
    %scan3A_3 = arith.constant 1 : i32
    scf.for %scan3A_6 = %scan3A to %scan3A_2 step %scan3A_3  : i32 {
      %mul3A_7 = arith.constant 160 : i32
      %mul3A_8 = arith.muli %arg1, %mul3A_7 : i32
      %mul3A_9 = arith.constant 80 : i32
      %mul3A_10 = arith.muli %scan3A_6, %mul3A_9 : i32
      %add3A = arith.addi %mul3A_8, %mul3A_10 : i32
      %mul3A_11 = arith.constant 64 : i32
      %mul3A_12 = arith.muli %add3A, %mul3A_11 : i32
      %run_scoped3A = arith.constant 0 : i32
      "tpu.region"() ({
        %run_scoped3A_54 = tpu.sem_alloc : memref<!tpu.dma_semaphore, #tpu.memory_space<semaphore_mem>>
        %dma_start3A_55 = arith.constant 0 : i32
        %dma_start3A_56 = tpu.memref_slice %arg3[%run_scoped3A, %dma_start3A_55] : memref<2x163840xi32, #tpu.memory_space<hbm>> -> memref<1x163840xi32, #tpu.memory_space<hbm>>
        %dma_start3A_57 = tpu.memref_squeeze %dma_start3A_56 : memref<1x163840xi32, #tpu.memory_space<hbm>> -> memref<163840xi32, #tpu.memory_space<hbm>>
        %dma_start3A_58 = tpu.memref_slice %dma_start3A_57[%mul3A_12] : memref<163840xi32, #tpu.memory_space<hbm>> -> memref<5120xi32, #tpu.memory_space<hbm>>
        %dma_start3A_59 = arith.constant 0 : i32
        %dma_start3A_60 = tpu.memref_slice %arg3[%run_scoped3A, %dma_start3A_59] : memref<2x163840xi32, #tpu.memory_space<hbm>> -> memref<1x163840xi32, #tpu.memory_space<hbm>>
        %dma_start3A_61 = tpu.memref_squeeze %dma_start3A_60 : memref<1x163840xi32, #tpu.memory_space<hbm>> -> memref<163840xi32, #tpu.memory_space<hbm>>
        %dma_start3A_62 = tpu.memref_slice %dma_start3A_61[%mul3A_12] : memref<163840xi32, #tpu.memory_space<hbm>> -> memref<5120xi32, #tpu.memory_space<hbm>>
        tpu.enqueue_dma source(%dma_start3A_62 : memref<5120xi32, #tpu.memory_space<hbm>>) target(%arg6 : memref<5120xi32, #tpu.memory_space<vmem>>) target_semaphore(%run_scoped3A_54 : memref<!tpu.dma_semaphore, #tpu.memory_space<semaphore_mem>>)
        %dma_wait3A = arith.constant 0 : i32
        %dma_wait3A_63 = tpu.memref_slice %arg3[%run_scoped3A, %dma_wait3A] : memref<2x163840xi32, #tpu.memory_space<hbm>> -> memref<1x163840xi32, #tpu.memory_space<hbm>>
        %dma_wait3A_64 = tpu.memref_squeeze %dma_wait3A_63 : memref<1x163840xi32, #tpu.memory_space<hbm>> -> memref<163840xi32, #tpu.memory_space<hbm>>
        %dma_wait3A_65 = tpu.memref_slice %dma_wait3A_64[%mul3A_12] : memref<163840xi32, #tpu.memory_space<hbm>> -> memref<5120xi32, #tpu.memory_space<hbm>>
        %dma_wait3A_66 = arith.constant 0 : i32
        %dma_wait3A_67 = tpu.memref_slice %arg3[%run_scoped3A, %dma_wait3A_66] : memref<2x163840xi32, #tpu.memory_space<hbm>> -> memref<1x163840xi32, #tpu.memory_space<hbm>>
        %dma_wait3A_68 = tpu.memref_squeeze %dma_wait3A_67 : memref<1x163840xi32, #tpu.memory_space<hbm>> -> memref<163840xi32, #tpu.memory_space<hbm>>
        %dma_wait3A_69 = tpu.memref_slice %dma_wait3A_68[%mul3A_12] : memref<163840xi32, #tpu.memory_space<hbm>> -> memref<5120xi32, #tpu.memory_space<hbm>>
        tpu.wait_dma2 semaphore(%run_scoped3A_54 : memref<!tpu.dma_semaphore, #tpu.memory_space<semaphore_mem>>) src(%dma_wait3A_69 : memref<5120xi32, #tpu.memory_space<hbm>>) dst(%arg6 : memref<5120xi32, #tpu.memory_space<vmem>>)
        tpu.yield
      }) : () -> ()
      %run_scoped3A_13 = arith.constant 1 : i32
      "tpu.region"() ({
        %run_scoped3A_54 = tpu.sem_alloc : memref<!tpu.dma_semaphore, #tpu.memory_space<semaphore_mem>>
        %dma_start3A_55 = arith.constant 0 : i32
        %dma_start3A_56 = tpu.memref_slice %arg3[%run_scoped3A_13, %dma_start3A_55] : memref<2x163840xi32, #tpu.memory_space<hbm>> -> memref<1x163840xi32, #tpu.memory_space<hbm>>
        %dma_start3A_57 = tpu.memref_squeeze %dma_start3A_56 : memref<1x163840xi32, #tpu.memory_space<hbm>> -> memref<163840xi32, #tpu.memory_space<hbm>>
        %dma_start3A_58 = tpu.memref_slice %dma_start3A_57[%mul3A_12] : memref<163840xi32, #tpu.memory_space<hbm>> -> memref<5120xi32, #tpu.memory_space<hbm>>
        %dma_start3A_59 = arith.constant 0 : i32
        %dma_start3A_60 = tpu.memref_slice %arg3[%run_scoped3A_13, %dma_start3A_59] : memref<2x163840xi32, #tpu.memory_space<hbm>> -> memref<1x163840xi32, #tpu.memory_space<hbm>>
        %dma_start3A_61 = tpu.memref_squeeze %dma_start3A_60 : memref<1x163840xi32, #tpu.memory_space<hbm>> -> memref<163840xi32, #tpu.memory_space<hbm>>
        %dma_start3A_62 = tpu.memref_slice %dma_start3A_61[%mul3A_12] : memref<163840xi32, #tpu.memory_space<hbm>> -> memref<5120xi32, #tpu.memory_space<hbm>>
        tpu.enqueue_dma source(%dma_start3A_62 : memref<5120xi32, #tpu.memory_space<hbm>>) target(%arg7 : memref<5120xi32, #tpu.memory_space<vmem>>) target_semaphore(%run_scoped3A_54 : memref<!tpu.dma_semaphore, #tpu.memory_space<semaphore_mem>>)
        %dma_wait3A = arith.constant 0 : i32
        %dma_wait3A_63 = tpu.memref_slice %arg3[%run_scoped3A_13, %dma_wait3A] : memref<2x163840xi32, #tpu.memory_space<hbm>> -> memref<1x163840xi32, #tpu.memory_space<hbm>>
        %dma_wait3A_64 = tpu.memref_squeeze %dma_wait3A_63 : memref<1x163840xi32, #tpu.memory_space<hbm>> -> memref<163840xi32, #tpu.memory_space<hbm>>
        %dma_wait3A_65 = tpu.memref_slice %dma_wait3A_64[%mul3A_12] : memref<163840xi32, #tpu.memory_space<hbm>> -> memref<5120xi32, #tpu.memory_space<hbm>>
        %dma_wait3A_66 = arith.constant 0 : i32
        %dma_wait3A_67 = tpu.memref_slice %arg3[%run_scoped3A_13, %dma_wait3A_66] : memref<2x163840xi32, #tpu.memory_space<hbm>> -> memref<1x163840xi32, #tpu.memory_space<hbm>>
        %dma_wait3A_68 = tpu.memref_squeeze %dma_wait3A_67 : memref<1x163840xi32, #tpu.memory_space<hbm>> -> memref<163840xi32, #tpu.memory_space<hbm>>
        %dma_wait3A_69 = tpu.memref_slice %dma_wait3A_68[%mul3A_12] : memref<163840xi32, #tpu.memory_space<hbm>> -> memref<5120xi32, #tpu.memory_space<hbm>>
        tpu.wait_dma2 semaphore(%run_scoped3A_54 : memref<!tpu.dma_semaphore, #tpu.memory_space<semaphore_mem>>) src(%dma_wait3A_69 : memref<5120xi32, #tpu.memory_space<hbm>>) dst(%arg7 : memref<5120xi32, #tpu.memory_space<vmem>>)
        tpu.yield
      }) : () -> ()
      %dma_start3A = arith.constant 0 : i32
      %dma_start3A_14 = tpu.memref_slice %arg6[%dma_start3A] : memref<5120xi32, #tpu.memory_space<vmem>> -> memref<64xi32, #tpu.memory_space<vmem>>
      %dma_start3A_15 = arith.constant 0 : i32
      %dma_start3A_16 = arith.constant 0 : i32
      %dma_start3A_17 = tpu.memref_slice %arg2[%arg0, %dma_start3A_15, %dma_start3A_16] : memref<2x10112x128xf32, #tpu.memory_space<hbm>> -> memref<1x10112x128xf32, #tpu.memory_space<hbm>>
      %dma_start3A_18 = tpu.memref_squeeze %dma_start3A_17 : memref<1x10112x128xf32, #tpu.memory_space<hbm>> -> memref<10112x128xf32, #tpu.memory_space<hbm>>
      %dma_start3A_19 = arith.constant 0 : i32
      %dma_start3A_20 = arith.constant 0 : i32
      %dma_start3A_21 = tpu.memref_slice %dma_start3A_18[%dma_start3A_19, %dma_start3A_20] : memref<10112x128xf32, #tpu.memory_space<hbm>> -> memref<10112x128xf32, #tpu.memory_space<hbm>>
      tpu.enqueue_indirect_dma source(%dma_start3A_21 : memref<10112x128xf32, #tpu.memory_space<hbm>>) target(%arg8 : memref<64x128xf32, #tpu.memory_space<vmem>>) offsets(%dma_start3A_14 : memref<64xi32, #tpu.memory_space<vmem>>) semaphore(%arg13 : memref<!tpu.dma_semaphore, #tpu.memory_space<semaphore_mem>>)
      %dma_start3A_22 = arith.constant 64 : i32
      %dma_start3A_23 = tpu.memref_slice %arg6[%dma_start3A_22] : memref<5120xi32, #tpu.memory_space<vmem>> -> memref<64xi32, #tpu.memory_space<vmem>>
      %dma_start3A_24 = arith.constant 0 : i32
      %dma_start3A_25 = arith.constant 0 : i32
      %dma_start3A_26 = tpu.memref_slice %arg2[%arg0, %dma_start3A_24, %dma_start3A_25] : memref<2x10112x128xf32, #tpu.memory_space<hbm>> -> memref<1x10112x128xf32, #tpu.memory_space<hbm>>
      %dma_start3A_27 = tpu.memref_squeeze %dma_start3A_26 : memref<1x10112x128xf32, #tpu.memory_space<hbm>> -> memref<10112x128xf32, #tpu.memory_space<hbm>>
      %dma_start3A_28 = arith.constant 0 : i32
      %dma_start3A_29 = arith.constant 0 : i32
      %dma_start3A_30 = tpu.memref_slice %dma_start3A_27[%dma_start3A_28, %dma_start3A_29] : memref<10112x128xf32, #tpu.memory_space<hbm>> -> memref<10112x128xf32, #tpu.memory_space<hbm>>
      tpu.enqueue_indirect_dma source(%dma_start3A_30 : memref<10112x128xf32, #tpu.memory_space<hbm>>) target(%arg9 : memref<64x128xf32, #tpu.memory_space<vmem>>) offsets(%dma_start3A_23 : memref<64xi32, #tpu.memory_space<vmem>>) semaphore(%arg13 : memref<!tpu.dma_semaphore, #tpu.memory_space<semaphore_mem>>)
      %dma_start3A_31 = arith.constant 128 : i32
      %dma_start3A_32 = tpu.memref_slice %arg6[%dma_start3A_31] : memref<5120xi32, #tpu.memory_space<vmem>> -> memref<64xi32, #tpu.memory_space<vmem>>
      %dma_start3A_33 = arith.constant 0 : i32
      %dma_start3A_34 = arith.constant 0 : i32
      %dma_start3A_35 = tpu.memref_slice %arg2[%arg0, %dma_start3A_33, %dma_start3A_34] : memref<2x10112x128xf32, #tpu.memory_space<hbm>> -> memref<1x10112x128xf32, #tpu.memory_space<hbm>>
      %dma_start3A_36 = tpu.memref_squeeze %dma_start3A_35 : memref<1x10112x128xf32, #tpu.memory_space<hbm>> -> memref<10112x128xf32, #tpu.memory_space<hbm>>
      %dma_start3A_37 = arith.constant 0 : i32
      %dma_start3A_38 = arith.constant 0 : i32
      %dma_start3A_39 = tpu.memref_slice %dma_start3A_36[%dma_start3A_37, %dma_start3A_38] : memref<10112x128xf32, #tpu.memory_space<hbm>> -> memref<10112x128xf32, #tpu.memory_space<hbm>>
      tpu.enqueue_indirect_dma source(%dma_start3A_39 : memref<10112x128xf32, #tpu.memory_space<hbm>>) target(%arg10 : memref<64x128xf32, #tpu.memory_space<vmem>>) offsets(%dma_start3A_32 : memref<64xi32, #tpu.memory_space<vmem>>) semaphore(%arg13 : memref<!tpu.dma_semaphore, #tpu.memory_space<semaphore_mem>>)
      %dma_start3A_40 = arith.constant 192 : i32
      %dma_start3A_41 = tpu.memref_slice %arg6[%dma_start3A_40] : memref<5120xi32, #tpu.memory_space<vmem>> -> memref<64xi32, #tpu.memory_space<vmem>>
      %dma_start3A_42 = arith.constant 0 : i32
      %dma_start3A_43 = arith.constant 0 : i32
      %dma_start3A_44 = tpu.memref_slice %arg2[%arg0, %dma_start3A_42, %dma_start3A_43] : memref<2x10112x128xf32, #tpu.memory_space<hbm>> -> memref<1x10112x128xf32, #tpu.memory_space<hbm>>
      %dma_start3A_45 = tpu.memref_squeeze %dma_start3A_44 : memref<1x10112x128xf32, #tpu.memory_space<hbm>> -> memref<10112x128xf32, #tpu.memory_space<hbm>>
      %dma_start3A_46 = arith.constant 0 : i32
      %dma_start3A_47 = arith.constant 0 : i32
      %dma_start3A_48 = tpu.memref_slice %dma_start3A_45[%dma_start3A_46, %dma_start3A_47] : memref<10112x128xf32, #tpu.memory_space<hbm>> -> memref<10112x128xf32, #tpu.memory_space<hbm>>
      tpu.enqueue_indirect_dma source(%dma_start3A_48 : memref<10112x128xf32, #tpu.memory_space<hbm>>) target(%arg11 : memref<64x128xf32, #tpu.memory_space<vmem>>) offsets(%dma_start3A_41 : memref<64xi32, #tpu.memory_space<vmem>>) semaphore(%arg13 : memref<!tpu.dma_semaphore, #tpu.memory_space<semaphore_mem>>)
      %scan3A_49 = arith.constant 0 : i32
      %scan3A_50 = arith.constant 20 : i32
      %scan3A_51 = arith.addi %scan3A_49, %scan3A_50 : i32
      %scan3A_52 = arith.constant 1 : i32
      scf.for %scan3A_54 = %scan3A_49 to %scan3A_51 step %scan3A_52  : i32 {
        %mul3A_55 = arith.constant 4 : i32
        %mul3A_56 = arith.muli %mul3A_55, %scan3A_54 : i32
        %add3A_57 = arith.constant 0 : i32
        %add3A_58 = arith.addi %mul3A_56, %add3A_57 : i32
        %mul3A_59 = arith.constant 64 : i32
        %mul3A_60 = arith.muli %add3A_58, %mul3A_59 : i32
        %dma_wait3A = tpu.memref_slice %arg6[%mul3A_60] : memref<5120xi32, #tpu.memory_space<vmem>> -> memref<64xi32, #tpu.memory_space<vmem>>
        %dma_wait3A_61 = arith.constant 0 : i32
        %dma_wait3A_62 = arith.constant 0 : i32
        %dma_wait3A_63 = tpu.memref_slice %arg2[%arg0, %dma_wait3A_61, %dma_wait3A_62] : memref<2x10112x128xf32, #tpu.memory_space<hbm>> -> memref<1x10112x128xf32, #tpu.memory_space<hbm>>
        %dma_wait3A_64 = tpu.memref_squeeze %dma_wait3A_63 : memref<1x10112x128xf32, #tpu.memory_space<hbm>> -> memref<10112x128xf32, #tpu.memory_space<hbm>>
        %dma_wait3A_65 = arith.constant 0 : i32
        %dma_wait3A_66 = arith.constant 0 : i32
        %dma_wait3A_67 = tpu.memref_slice %dma_wait3A_64[%dma_wait3A_65, %dma_wait3A_66] : memref<10112x128xf32, #tpu.memory_space<hbm>> -> memref<10112x128xf32, #tpu.memory_space<hbm>>
        tpu.wait_indirect_dma semaphore(%arg13 : memref<!tpu.dma_semaphore, #tpu.memory_space<semaphore_mem>>) src(%dma_wait3A_67 : memref<10112x128xf32, #tpu.memory_space<hbm>>) dst(%arg8 : memref<64x128xf32, #tpu.memory_space<vmem>>)
        %mul3A_68 = arith.constant 64 : i32
        %mul3A_69 = arith.muli %add3A_58, %mul3A_68 : i32
        %dma_start3A_70 = tpu.memref_slice %arg7[%mul3A_69] : memref<5120xi32, #tpu.memory_space<vmem>> -> memref<64xi32, #tpu.memory_space<vmem>>
        %dma_start3A_71 = arith.constant 0 : i32
        %dma_start3A_72 = arith.constant 0 : i32
        %dma_start3A_73 = tpu.memref_slice %arg12[%dma_start3A_71, %dma_start3A_72] : memref<10112x128xf32, #tpu.memory_space<vmem_shared>> -> memref<10112x128xf32, #tpu.memory_space<vmem_shared>>
        tpu.enqueue_indirect_dma source(%arg8 : memref<64x128xf32, #tpu.memory_space<vmem>>) target(%dma_start3A_73 : memref<10112x128xf32, #tpu.memory_space<vmem_shared>>) offsets(%dma_start3A_70 : memref<64xi32, #tpu.memory_space<vmem>>) semaphore(%arg14 : memref<!tpu.dma_semaphore, #tpu.memory_space<semaphore_mem>>) {add = true}
        %mul3A_74 = arith.constant 64 : i32
        %mul3A_75 = arith.muli %add3A_58, %mul3A_74 : i32
        %dma_wait3A_76 = tpu.memref_slice %arg7[%mul3A_75] : memref<5120xi32, #tpu.memory_space<vmem>> -> memref<64xi32, #tpu.memory_space<vmem>>
        %dma_wait3A_77 = arith.constant 0 : i32
        %dma_wait3A_78 = arith.constant 0 : i32
        %dma_wait3A_79 = tpu.memref_slice %arg12[%dma_wait3A_77, %dma_wait3A_78] : memref<10112x128xf32, #tpu.memory_space<vmem_shared>> -> memref<10112x128xf32, #tpu.memory_space<vmem_shared>>
        tpu.wait_indirect_dma semaphore(%arg14 : memref<!tpu.dma_semaphore, #tpu.memory_space<semaphore_mem>>) src(%arg8 : memref<64x128xf32, #tpu.memory_space<vmem>>) dst(%dma_wait3A_79 : memref<10112x128xf32, #tpu.memory_space<vmem_shared>>)
        %lt3A = arith.constant 19 : i32
        %lt3A_80 = arith.cmpi slt, %scan3A_54, %lt3A : i32
        %convert_element_type3A = arith.extui %lt3A_80 : i1 to i32
        %cond3A = arith.constant 0 : i32
        %cond3A_81 = arith.cmpi ne, %convert_element_type3A, %cond3A : i32
        scf.if %cond3A_81 {
          %add3A_175 = arith.constant 4 : i32
          %add3A_176 = arith.addi %add3A_58, %add3A_175 : i32
          %mul3A_177 = arith.constant 64 : i32
          %mul3A_178 = arith.muli %add3A_176, %mul3A_177 : i32
          %dma_start3A_179 = tpu.memref_slice %arg6[%mul3A_178] : memref<5120xi32, #tpu.memory_space<vmem>> -> memref<64xi32, #tpu.memory_space<vmem>>
          %dma_start3A_180 = arith.constant 0 : i32
          %dma_start3A_181 = arith.constant 0 : i32
          %dma_start3A_182 = tpu.memref_slice %arg2[%arg0, %dma_start3A_180, %dma_start3A_181] : memref<2x10112x128xf32, #tpu.memory_space<hbm>> -> memref<1x10112x128xf32, #tpu.memory_space<hbm>>
          %dma_start3A_183 = tpu.memref_squeeze %dma_start3A_182 : memref<1x10112x128xf32, #tpu.memory_space<hbm>> -> memref<10112x128xf32, #tpu.memory_space<hbm>>
          %dma_start3A_184 = arith.constant 0 : i32
          %dma_start3A_185 = arith.constant 0 : i32
          %dma_start3A_186 = tpu.memref_slice %dma_start3A_183[%dma_start3A_184, %dma_start3A_185] : memref<10112x128xf32, #tpu.memory_space<hbm>> -> memref<10112x128xf32, #tpu.memory_space<hbm>>
          tpu.enqueue_indirect_dma source(%dma_start3A_186 : memref<10112x128xf32, #tpu.memory_space<hbm>>) target(%arg8 : memref<64x128xf32, #tpu.memory_space<vmem>>) offsets(%dma_start3A_179 : memref<64xi32, #tpu.memory_space<vmem>>) semaphore(%arg13 : memref<!tpu.dma_semaphore, #tpu.memory_space<semaphore_mem>>)
        } else {
        }
        %mul3A_82 = arith.constant 4 : i32
        %mul3A_83 = arith.muli %mul3A_82, %scan3A_54 : i32
        %add3A_84 = arith.constant 1 : i32
        %add3A_85 = arith.addi %mul3A_83, %add3A_84 : i32
        %mul3A_86 = arith.constant 64 : i32
        %mul3A_87 = arith.muli %add3A_85, %mul3A_86 : i32
        %dma_wait3A_88 = tpu.memref_slice %arg6[%mul3A_87] : memref<5120xi32, #tpu.memory_space<vmem>> -> memref<64xi32, #tpu.memory_space<vmem>>
        %dma_wait3A_89 = arith.constant 0 : i32
        %dma_wait3A_90 = arith.constant 0 : i32
        %dma_wait3A_91 = tpu.memref_slice %arg2[%arg0, %dma_wait3A_89, %dma_wait3A_90] : memref<2x10112x128xf32, #tpu.memory_space<hbm>> -> memref<1x10112x128xf32, #tpu.memory_space<hbm>>
        %dma_wait3A_92 = tpu.memref_squeeze %dma_wait3A_91 : memref<1x10112x128xf32, #tpu.memory_space<hbm>> -> memref<10112x128xf32, #tpu.memory_space<hbm>>
        %dma_wait3A_93 = arith.constant 0 : i32
        %dma_wait3A_94 = arith.constant 0 : i32
        %dma_wait3A_95 = tpu.memref_slice %dma_wait3A_92[%dma_wait3A_93, %dma_wait3A_94] : memref<10112x128xf32, #tpu.memory_space<hbm>> -> memref<10112x128xf32, #tpu.memory_space<hbm>>
        tpu.wait_indirect_dma semaphore(%arg13 : memref<!tpu.dma_semaphore, #tpu.memory_space<semaphore_mem>>) src(%dma_wait3A_95 : memref<10112x128xf32, #tpu.memory_space<hbm>>) dst(%arg9 : memref<64x128xf32, #tpu.memory_space<vmem>>)
        %mul3A_96 = arith.constant 64 : i32
        %mul3A_97 = arith.muli %add3A_85, %mul3A_96 : i32
        %dma_start3A_98 = tpu.memref_slice %arg7[%mul3A_97] : memref<5120xi32, #tpu.memory_space<vmem>> -> memref<64xi32, #tpu.memory_space<vmem>>
        %dma_start3A_99 = arith.constant 0 : i32
        %dma_start3A_100 = arith.constant 0 : i32
        %dma_start3A_101 = tpu.memref_slice %arg12[%dma_start3A_99, %dma_start3A_100] : memref<10112x128xf32, #tpu.memory_space<vmem_shared>> -> memref<10112x128xf32, #tpu.memory_space<vmem_shared>>
        tpu.enqueue_indirect_dma source(%arg9 : memref<64x128xf32, #tpu.memory_space<vmem>>) target(%dma_start3A_101 : memref<10112x128xf32, #tpu.memory_space<vmem_shared>>) offsets(%dma_start3A_98 : memref<64xi32, #tpu.memory_space<vmem>>) semaphore(%arg14 : memref<!tpu.dma_semaphore, #tpu.memory_space<semaphore_mem>>) {add = true}
        %mul3A_102 = arith.constant 64 : i32
        %mul3A_103 = arith.muli %add3A_85, %mul3A_102 : i32
        %dma_wait3A_104 = tpu.memref_slice %arg7[%mul3A_103] : memref<5120xi32, #tpu.memory_space<vmem>> -> memref<64xi32, #tpu.memory_space<vmem>>
        %dma_wait3A_105 = arith.constant 0 : i32
        %dma_wait3A_106 = arith.constant 0 : i32
        %dma_wait3A_107 = tpu.memref_slice %arg12[%dma_wait3A_105, %dma_wait3A_106] : memref<10112x128xf32, #tpu.memory_space<vmem_shared>> -> memref<10112x128xf32, #tpu.memory_space<vmem_shared>>
        tpu.wait_indirect_dma semaphore(%arg14 : memref<!tpu.dma_semaphore, #tpu.memory_space<semaphore_mem>>) src(%arg9 : memref<64x128xf32, #tpu.memory_space<vmem>>) dst(%dma_wait3A_107 : memref<10112x128xf32, #tpu.memory_space<vmem_shared>>)
        %lt3A_108 = arith.constant 19 : i32
        %lt3A_109 = arith.cmpi slt, %scan3A_54, %lt3A_108 : i32
        %convert_element_type3A_110 = arith.extui %lt3A_109 : i1 to i32
        %cond3A_111 = arith.constant 0 : i32
        %cond3A_112 = arith.cmpi ne, %convert_element_type3A_110, %cond3A_111 : i32
        scf.if %cond3A_112 {
          %add3A_175 = arith.constant 4 : i32
          %add3A_176 = arith.addi %add3A_85, %add3A_175 : i32
          %mul3A_177 = arith.constant 64 : i32
          %mul3A_178 = arith.muli %add3A_176, %mul3A_177 : i32
          %dma_start3A_179 = tpu.memref_slice %arg6[%mul3A_178] : memref<5120xi32, #tpu.memory_space<vmem>> -> memref<64xi32, #tpu.memory_space<vmem>>
          %dma_start3A_180 = arith.constant 0 : i32
          %dma_start3A_181 = arith.constant 0 : i32
          %dma_start3A_182 = tpu.memref_slice %arg2[%arg0, %dma_start3A_180, %dma_start3A_181] : memref<2x10112x128xf32, #tpu.memory_space<hbm>> -> memref<1x10112x128xf32, #tpu.memory_space<hbm>>
          %dma_start3A_183 = tpu.memref_squeeze %dma_start3A_182 : memref<1x10112x128xf32, #tpu.memory_space<hbm>> -> memref<10112x128xf32, #tpu.memory_space<hbm>>
          %dma_start3A_184 = arith.constant 0 : i32
          %dma_start3A_185 = arith.constant 0 : i32
          %dma_start3A_186 = tpu.memref_slice %dma_start3A_183[%dma_start3A_184, %dma_start3A_185] : memref<10112x128xf32, #tpu.memory_space<hbm>> -> memref<10112x128xf32, #tpu.memory_space<hbm>>
          tpu.enqueue_indirect_dma source(%dma_start3A_186 : memref<10112x128xf32, #tpu.memory_space<hbm>>) target(%arg9 : memref<64x128xf32, #tpu.memory_space<vmem>>) offsets(%dma_start3A_179 : memref<64xi32, #tpu.memory_space<vmem>>) semaphore(%arg13 : memref<!tpu.dma_semaphore, #tpu.memory_space<semaphore_mem>>)
        } else {
        }
        %mul3A_113 = arith.constant 4 : i32
        %mul3A_114 = arith.muli %mul3A_113, %scan3A_54 : i32
        %add3A_115 = arith.constant 2 : i32
        %add3A_116 = arith.addi %mul3A_114, %add3A_115 : i32
        %mul3A_117 = arith.constant 64 : i32
        %mul3A_118 = arith.muli %add3A_116, %mul3A_117 : i32
        %dma_wait3A_119 = tpu.memref_slice %arg6[%mul3A_118] : memref<5120xi32, #tpu.memory_space<vmem>> -> memref<64xi32, #tpu.memory_space<vmem>>
        %dma_wait3A_120 = arith.constant 0 : i32
        %dma_wait3A_121 = arith.constant 0 : i32
        %dma_wait3A_122 = tpu.memref_slice %arg2[%arg0, %dma_wait3A_120, %dma_wait3A_121] : memref<2x10112x128xf32, #tpu.memory_space<hbm>> -> memref<1x10112x128xf32, #tpu.memory_space<hbm>>
        %dma_wait3A_123 = tpu.memref_squeeze %dma_wait3A_122 : memref<1x10112x128xf32, #tpu.memory_space<hbm>> -> memref<10112x128xf32, #tpu.memory_space<hbm>>
        %dma_wait3A_124 = arith.constant 0 : i32
        %dma_wait3A_125 = arith.constant 0 : i32
        %dma_wait3A_126 = tpu.memref_slice %dma_wait3A_123[%dma_wait3A_124, %dma_wait3A_125] : memref<10112x128xf32, #tpu.memory_space<hbm>> -> memref<10112x128xf32, #tpu.memory_space<hbm>>
        tpu.wait_indirect_dma semaphore(%arg13 : memref<!tpu.dma_semaphore, #tpu.memory_space<semaphore_mem>>) src(%dma_wait3A_126 : memref<10112x128xf32, #tpu.memory_space<hbm>>) dst(%arg10 : memref<64x128xf32, #tpu.memory_space<vmem>>)
        %mul3A_127 = arith.constant 64 : i32
        %mul3A_128 = arith.muli %add3A_116, %mul3A_127 : i32
        %dma_start3A_129 = tpu.memref_slice %arg7[%mul3A_128] : memref<5120xi32, #tpu.memory_space<vmem>> -> memref<64xi32, #tpu.memory_space<vmem>>
        %dma_start3A_130 = arith.constant 0 : i32
        %dma_start3A_131 = arith.constant 0 : i32
        %dma_start3A_132 = tpu.memref_slice %arg12[%dma_start3A_130, %dma_start3A_131] : memref<10112x128xf32, #tpu.memory_space<vmem_shared>> -> memref<10112x128xf32, #tpu.memory_space<vmem_shared>>
        tpu.enqueue_indirect_dma source(%arg10 : memref<64x128xf32, #tpu.memory_space<vmem>>) target(%dma_start3A_132 : memref<10112x128xf32, #tpu.memory_space<vmem_shared>>) offsets(%dma_start3A_129 : memref<64xi32, #tpu.memory_space<vmem>>) semaphore(%arg14 : memref<!tpu.dma_semaphore, #tpu.memory_space<semaphore_mem>>) {add = true}
        %mul3A_133 = arith.constant 64 : i32
        %mul3A_134 = arith.muli %add3A_116, %mul3A_133 : i32
        %dma_wait3A_135 = tpu.memref_slice %arg7[%mul3A_134] : memref<5120xi32, #tpu.memory_space<vmem>> -> memref<64xi32, #tpu.memory_space<vmem>>
        %dma_wait3A_136 = arith.constant 0 : i32
        %dma_wait3A_137 = arith.constant 0 : i32
        %dma_wait3A_138 = tpu.memref_slice %arg12[%dma_wait3A_136, %dma_wait3A_137] : memref<10112x128xf32, #tpu.memory_space<vmem_shared>> -> memref<10112x128xf32, #tpu.memory_space<vmem_shared>>
        tpu.wait_indirect_dma semaphore(%arg14 : memref<!tpu.dma_semaphore, #tpu.memory_space<semaphore_mem>>) src(%arg10 : memref<64x128xf32, #tpu.memory_space<vmem>>) dst(%dma_wait3A_138 : memref<10112x128xf32, #tpu.memory_space<vmem_shared>>)
        %lt3A_139 = arith.constant 19 : i32
        %lt3A_140 = arith.cmpi slt, %scan3A_54, %lt3A_139 : i32
        %convert_element_type3A_141 = arith.extui %lt3A_140 : i1 to i32
        %cond3A_142 = arith.constant 0 : i32
        %cond3A_143 = arith.cmpi ne, %convert_element_type3A_141, %cond3A_142 : i32
        scf.if %cond3A_143 {
          %add3A_175 = arith.constant 4 : i32
          %add3A_176 = arith.addi %add3A_116, %add3A_175 : i32
          %mul3A_177 = arith.constant 64 : i32
          %mul3A_178 = arith.muli %add3A_176, %mul3A_177 : i32
          %dma_start3A_179 = tpu.memref_slice %arg6[%mul3A_178] : memref<5120xi32, #tpu.memory_space<vmem>> -> memref<64xi32, #tpu.memory_space<vmem>>
          %dma_start3A_180 = arith.constant 0 : i32
          %dma_start3A_181 = arith.constant 0 : i32
          %dma_start3A_182 = tpu.memref_slice %arg2[%arg0, %dma_start3A_180, %dma_start3A_181] : memref<2x10112x128xf32, #tpu.memory_space<hbm>> -> memref<1x10112x128xf32, #tpu.memory_space<hbm>>
          %dma_start3A_183 = tpu.memref_squeeze %dma_start3A_182 : memref<1x10112x128xf32, #tpu.memory_space<hbm>> -> memref<10112x128xf32, #tpu.memory_space<hbm>>
          %dma_start3A_184 = arith.constant 0 : i32
          %dma_start3A_185 = arith.constant 0 : i32
          %dma_start3A_186 = tpu.memref_slice %dma_start3A_183[%dma_start3A_184, %dma_start3A_185] : memref<10112x128xf32, #tpu.memory_space<hbm>> -> memref<10112x128xf32, #tpu.memory_space<hbm>>
          tpu.enqueue_indirect_dma source(%dma_start3A_186 : memref<10112x128xf32, #tpu.memory_space<hbm>>) target(%arg10 : memref<64x128xf32, #tpu.memory_space<vmem>>) offsets(%dma_start3A_179 : memref<64xi32, #tpu.memory_space<vmem>>) semaphore(%arg13 : memref<!tpu.dma_semaphore, #tpu.memory_space<semaphore_mem>>)
        } else {
        }
        %mul3A_144 = arith.constant 4 : i32
        %mul3A_145 = arith.muli %mul3A_144, %scan3A_54 : i32
        %add3A_146 = arith.constant 3 : i32
        %add3A_147 = arith.addi %mul3A_145, %add3A_146 : i32
        %mul3A_148 = arith.constant 64 : i32
        %mul3A_149 = arith.muli %add3A_147, %mul3A_148 : i32
        %dma_wait3A_150 = tpu.memref_slice %arg6[%mul3A_149] : memref<5120xi32, #tpu.memory_space<vmem>> -> memref<64xi32, #tpu.memory_space<vmem>>
        %dma_wait3A_151 = arith.constant 0 : i32
        %dma_wait3A_152 = arith.constant 0 : i32
        %dma_wait3A_153 = tpu.memref_slice %arg2[%arg0, %dma_wait3A_151, %dma_wait3A_152] : memref<2x10112x128xf32, #tpu.memory_space<hbm>> -> memref<1x10112x128xf32, #tpu.memory_space<hbm>>
        %dma_wait3A_154 = tpu.memref_squeeze %dma_wait3A_153 : memref<1x10112x128xf32, #tpu.memory_space<hbm>> -> memref<10112x128xf32, #tpu.memory_space<hbm>>
        %dma_wait3A_155 = arith.constant 0 : i32
        %dma_wait3A_156 = arith.constant 0 : i32
        %dma_wait3A_157 = tpu.memref_slice %dma_wait3A_154[%dma_wait3A_155, %dma_wait3A_156] : memref<10112x128xf32, #tpu.memory_space<hbm>> -> memref<10112x128xf32, #tpu.memory_space<hbm>>
        tpu.wait_indirect_dma semaphore(%arg13 : memref<!tpu.dma_semaphore, #tpu.memory_space<semaphore_mem>>) src(%dma_wait3A_157 : memref<10112x128xf32, #tpu.memory_space<hbm>>) dst(%arg11 : memref<64x128xf32, #tpu.memory_space<vmem>>)
        %mul3A_158 = arith.constant 64 : i32
        %mul3A_159 = arith.muli %add3A_147, %mul3A_158 : i32
        %dma_start3A_160 = tpu.memref_slice %arg7[%mul3A_159] : memref<5120xi32, #tpu.memory_space<vmem>> -> memref<64xi32, #tpu.memory_space<vmem>>
        %dma_start3A_161 = arith.constant 0 : i32
        %dma_start3A_162 = arith.constant 0 : i32
        %dma_start3A_163 = tpu.memref_slice %arg12[%dma_start3A_161, %dma_start3A_162] : memref<10112x128xf32, #tpu.memory_space<vmem_shared>> -> memref<10112x128xf32, #tpu.memory_space<vmem_shared>>
        tpu.enqueue_indirect_dma source(%arg11 : memref<64x128xf32, #tpu.memory_space<vmem>>) target(%dma_start3A_163 : memref<10112x128xf32, #tpu.memory_space<vmem_shared>>) offsets(%dma_start3A_160 : memref<64xi32, #tpu.memory_space<vmem>>) semaphore(%arg14 : memref<!tpu.dma_semaphore, #tpu.memory_space<semaphore_mem>>) {add = true}
        %mul3A_164 = arith.constant 64 : i32
        %mul3A_165 = arith.muli %add3A_147, %mul3A_164 : i32
        %dma_wait3A_166 = tpu.memref_slice %arg7[%mul3A_165] : memref<5120xi32, #tpu.memory_space<vmem>> -> memref<64xi32, #tpu.memory_space<vmem>>
        %dma_wait3A_167 = arith.constant 0 : i32
        %dma_wait3A_168 = arith.constant 0 : i32
        %dma_wait3A_169 = tpu.memref_slice %arg12[%dma_wait3A_167, %dma_wait3A_168] : memref<10112x128xf32, #tpu.memory_space<vmem_shared>> -> memref<10112x128xf32, #tpu.memory_space<vmem_shared>>
        tpu.wait_indirect_dma semaphore(%arg14 : memref<!tpu.dma_semaphore, #tpu.memory_space<semaphore_mem>>) src(%arg11 : memref<64x128xf32, #tpu.memory_space<vmem>>) dst(%dma_wait3A_169 : memref<10112x128xf32, #tpu.memory_space<vmem_shared>>)
        %lt3A_170 = arith.constant 19 : i32
        %lt3A_171 = arith.cmpi slt, %scan3A_54, %lt3A_170 : i32
        %convert_element_type3A_172 = arith.extui %lt3A_171 : i1 to i32
        %cond3A_173 = arith.constant 0 : i32
        %cond3A_174 = arith.cmpi ne, %convert_element_type3A_172, %cond3A_173 : i32
        scf.if %cond3A_174 {
          %add3A_175 = arith.constant 4 : i32
          %add3A_176 = arith.addi %add3A_147, %add3A_175 : i32
          %mul3A_177 = arith.constant 64 : i32
          %mul3A_178 = arith.muli %add3A_176, %mul3A_177 : i32
          %dma_start3A_179 = tpu.memref_slice %arg6[%mul3A_178] : memref<5120xi32, #tpu.memory_space<vmem>> -> memref<64xi32, #tpu.memory_space<vmem>>
          %dma_start3A_180 = arith.constant 0 : i32
          %dma_start3A_181 = arith.constant 0 : i32
          %dma_start3A_182 = tpu.memref_slice %arg2[%arg0, %dma_start3A_180, %dma_start3A_181] : memref<2x10112x128xf32, #tpu.memory_space<hbm>> -> memref<1x10112x128xf32, #tpu.memory_space<hbm>>
          %dma_start3A_183 = tpu.memref_squeeze %dma_start3A_182 : memref<1x10112x128xf32, #tpu.memory_space<hbm>> -> memref<10112x128xf32, #tpu.memory_space<hbm>>
          %dma_start3A_184 = arith.constant 0 : i32
          %dma_start3A_185 = arith.constant 0 : i32
          %dma_start3A_186 = tpu.memref_slice %dma_start3A_183[%dma_start3A_184, %dma_start3A_185] : memref<10112x128xf32, #tpu.memory_space<hbm>> -> memref<10112x128xf32, #tpu.memory_space<hbm>>
          tpu.enqueue_indirect_dma source(%dma_start3A_186 : memref<10112x128xf32, #tpu.memory_space<hbm>>) target(%arg11 : memref<64x128xf32, #tpu.memory_space<vmem>>) offsets(%dma_start3A_179 : memref<64xi32, #tpu.memory_space<vmem>>) semaphore(%arg13 : memref<!tpu.dma_semaphore, #tpu.memory_space<semaphore_mem>>)
        } else {
        }
      }
      %scan3A_53 = arith.constant 20 : i32
    }
    %scan3A_4 = arith.constant 2 : i32
    %barrier3A_5 = arith.constant 0 : index
    tpu.barrier barrier_id(%barrier3A_5)
    "tpu.region"() ({
      %run_scoped3A = tpu.sem_alloc : memref<!tpu.dma_semaphore, #tpu.memory_space<semaphore_mem>>
      %dma_start3A = arith.constant 0 : i32
      %dma_start3A_6 = arith.constant 0 : i32
      %dma_start3A_7 = tpu.memref_slice %arg5[%arg0, %dma_start3A, %dma_start3A_6] : memref<2x10112x128xf32, #tpu.memory_space<hbm>> -> memref<1x10112x128xf32, #tpu.memory_space<hbm>>
      %dma_start3A_8 = tpu.memref_squeeze %dma_start3A_7 : memref<1x10112x128xf32, #tpu.memory_space<hbm>> -> memref<10112x128xf32, #tpu.memory_space<hbm>>
      %dma_start3A_9 = arith.constant 0 : i32
      %dma_start3A_10 = tpu.memref_slice %dma_start3A_8[%mul3A_0, %dma_start3A_9] : memref<10112x128xf32, #tpu.memory_space<hbm>> -> memref<632x128xf32, #tpu.memory_space<hbm>>
      %dma_start3A_11 = arith.constant 0 : i32
      %dma_start3A_12 = tpu.memref_slice %arg12[%mul3A_0, %dma_start3A_11] : memref<10112x128xf32, #tpu.memory_space<vmem_shared>> -> memref<632x128xf32, #tpu.memory_space<vmem_shared>>
      tpu.enqueue_dma source(%dma_start3A_12 : memref<632x128xf32, #tpu.memory_space<vmem_shared>>) target(%dma_start3A_10 : memref<632x128xf32, #tpu.memory_space<hbm>>) target_semaphore(%run_scoped3A : memref<!tpu.dma_semaphore, #tpu.memory_space<semaphore_mem>>)
      %dma_wait3A = arith.constant 0 : i32
      %dma_wait3A_13 = arith.constant 0 : i32
      %dma_wait3A_14 = tpu.memref_slice %arg5[%arg0, %dma_wait3A, %dma_wait3A_13] : memref<2x10112x128xf32, #tpu.memory_space<hbm>> -> memref<1x10112x128xf32, #tpu.memory_space<hbm>>
      %dma_wait3A_15 = tpu.memref_squeeze %dma_wait3A_14 : memref<1x10112x128xf32, #tpu.memory_space<hbm>> -> memref<10112x128xf32, #tpu.memory_space<hbm>>
      %dma_wait3A_16 = arith.constant 0 : i32
      %dma_wait3A_17 = tpu.memref_slice %dma_wait3A_15[%mul3A_0, %dma_wait3A_16] : memref<10112x128xf32, #tpu.memory_space<hbm>> -> memref<632x128xf32, #tpu.memory_space<hbm>>
      %dma_wait3A_18 = arith.constant 0 : i32
      %dma_wait3A_19 = tpu.memref_slice %arg12[%mul3A_0, %dma_wait3A_18] : memref<10112x128xf32, #tpu.memory_space<vmem_shared>> -> memref<632x128xf32, #tpu.memory_space<vmem_shared>>
      tpu.wait_dma2 semaphore(%run_scoped3A : memref<!tpu.dma_semaphore, #tpu.memory_space<semaphore_mem>>) src(%dma_wait3A_19 : memref<632x128xf32, #tpu.memory_space<vmem_shared>>) dst(%dma_wait3A_17 : memref<632x128xf32, #tpu.memory_space<hbm>>)
      tpu.yield
    }) : () -> ()
    return
  }
}

module attributes {stable_mosaic.version = 14 : i64} {
  func.func @_mm1_body(%arg0: i32, %arg1: memref<128x256xf32, #tpu.memory_space<vmem>>, %arg2: memref<1x128x128xf32, #tpu.memory_space<vmem>>, %arg3: memref<256x256xf32, #tpu.memory_space<vmem>>, %arg4: memref<2x128x128xf32, #tpu.memory_space<vmem>>) attributes {dimension_semantics = [#tpu.dimension_semantics<arbitrary>], iteration_bounds = array<i64: 79>, scalar_prefetch = 0 : i64, scratch_operands = 0 : i64, tpu.core_type = #tpu.core_type<tc>, window_params = [{transform_indices = @transform_0, window_bounds = array<i64: 128, 256>}, {transform_indices = @transform_1, window_bounds = array<i64: 1, 128, 128>}, {pipeline_mode = #tpu.pipeline_mode<synchronous>, transform_indices = @transform_2, window_bounds = array<i64: 256, 256>}, {transform_indices = @transform_3, window_bounds = array<i64: 2, 128, 128>}]} {
    %get3A = arith.constant 0 : index
    %get3A_0 = arith.constant 0 : index
    %get3A_1 = vector.load %arg1[%get3A, %get3A_0] : memref<128x256xf32, #tpu.memory_space<vmem>>, vector<128x256xf32>
    %get3A_2 = arith.constant 0 : index
    %get3A_3 = arith.constant 0 : index
    %get3A_4 = arith.constant 0 : index
    %get3A_5 = vector.load %arg2[%get3A_2, %get3A_3, %get3A_4] : memref<1x128x128xf32, #tpu.memory_space<vmem>>, vector<1x128x128xf32>
    %get3A_6 = vector.shape_cast %get3A_5 : vector<1x128x128xf32> to vector<128x128xf32>
    %slice3A = vector.extract_strided_slice %get3A_6 {offsets = [0, 0], sizes = [128, 1], strides = [1, 1]} : vector<128x128xf32> to vector<128x1xf32>
    %jit3A = arith.constant 1.000000e+00 : f32
    %max3A = vector.broadcast %jit3A : f32 to vector<128x1xf32>
    %max3A_7 = arith.maximumf %max3A, %slice3A : vector<128x1xf32>
    %rsqrt3A = math.rsqrt %max3A_7 : vector<128x1xf32>
    %mul3A = vector.broadcast %rsqrt3A : vector<128x1xf32> to vector<128x256xf32>
    %mul3A_8 = arith.mulf %get3A_1, %mul3A : vector<128x256xf32>
    %get3A_9 = arith.constant 0 : index
    %get3A_10 = arith.constant 0 : index
    %get3A_11 = vector.load %arg3[%get3A_9, %get3A_10] : memref<256x256xf32, #tpu.memory_space<vmem>>, vector<256x256xf32>
    %dot_general3A = arith.constant dense<0.000000e+00> : vector<128x256xf32>
    %dot_general3A_12 = tpu.matmul %mul3A_8, %get3A_11, %dot_general3A {dimension_numbers = #tpu.dot_dimension_numbers<[1], [0], [0], [1], [0, 0, 1, 1], [], []>, transpose_lhs_hint = false} : vector<128x256xf32>, vector<256x256xf32>, vector<128x256xf32> -> vector<128x256xf32>
    %slice3A_13 = vector.extract_strided_slice %dot_general3A_12 {offsets = [0, 0], sizes = [128, 128], strides = [1, 1]} : vector<128x256xf32> to vector<128x128xf32>
    %swap3A = arith.constant 0 : index
    %swap3A_14 = arith.constant 0 : index
    %swap3A_15 = arith.constant 0 : index
    %swap3A_16 = vector.load %arg4[%swap3A, %swap3A_14, %swap3A_15] : memref<2x128x128xf32, #tpu.memory_space<vmem>>, vector<1x128x128xf32>
    %swap3A_17 = vector.shape_cast %swap3A_16 : vector<1x128x128xf32> to vector<128x128xf32>
    %swap3A_18 = vector.shape_cast %slice3A_13 : vector<128x128xf32> to vector<1x128x128xf32>
    tpu.vector_store %arg4[%swap3A, %swap3A_14, %swap3A_15], %swap3A_18 {strides = array<i32>} : memref<2x128x128xf32, #tpu.memory_space<vmem>>, vector<1x128x128xf32>,
    %slice3A_19 = vector.extract_strided_slice %dot_general3A_12 {offsets = [0, 128], sizes = [128, 128], strides = [1, 1]} : vector<128x256xf32> to vector<128x128xf32>
    %swap3A_20 = arith.constant 1 : index
    %swap3A_21 = arith.constant 0 : index
    %swap3A_22 = arith.constant 0 : index
    %swap3A_23 = vector.load %arg4[%swap3A_20, %swap3A_21, %swap3A_22] : memref<2x128x128xf32, #tpu.memory_space<vmem>>, vector<1x128x128xf32>
    %swap3A_24 = vector.shape_cast %swap3A_23 : vector<1x128x128xf32> to vector<128x128xf32>
    %swap3A_25 = vector.shape_cast %slice3A_19 : vector<128x128xf32> to vector<1x128x128xf32>
    tpu.vector_store %arg4[%swap3A_20, %swap3A_21, %swap3A_22], %swap3A_25 {strides = array<i32>} : memref<2x128x128xf32, #tpu.memory_space<vmem>>, vector<1x128x128xf32>,
    return
  }
  func.func @transform_0(%arg0: i32) -> (i32, i32) {
    %c0_i32 = arith.constant 0 : i32
    %c0_i32_0 = arith.constant 0 : i32
    return %arg0, %c0_i32 : i32, i32
  }
  func.func @transform_1(%arg0: i32) -> (i32, i32, i32) {
    %c0_i32 = arith.constant 0 : i32
    %c0_i32_0 = arith.constant 0 : i32
    %c0_i32_1 = arith.constant 0 : i32
    return %c0_i32, %arg0, %c0_i32_0 : i32, i32, i32
  }
  func.func @transform_2(%arg0: i32) -> (i32, i32) {
    %c0_i32 = arith.constant 0 : i32
    %c0_i32_0 = arith.constant 0 : i32
    %c0_i32_1 = arith.constant 0 : i32
    return %c0_i32, %c0_i32_0 : i32, i32
  }
  func.func @transform_3(%arg0: i32) -> (i32, i32, i32) {
    %c0_i32 = arith.constant 0 : i32
    %c0_i32_0 = arith.constant 0 : i32
    %c0_i32_1 = arith.constant 0 : i32
    return %c0_i32, %arg0, %c0_i32_0 : i32, i32, i32
  }
}

module attributes {stable_mosaic.version = 14 : i64} {
  func.func @_mm2_body(%arg0: i32, %arg1: memref<2x128x128xf32, #tpu.memory_space<vmem>>, %arg2: memref<2x128x128xf32, #tpu.memory_space<vmem>>, %arg3: memref<1x256xf32, #tpu.memory_space<vmem>>, %arg4: memref<256x256xf32, #tpu.memory_space<vmem>>, %arg5: memref<2x128x128xf32, #tpu.memory_space<vmem>>) attributes {dimension_semantics = [#tpu.dimension_semantics<arbitrary>], iteration_bounds = array<i64: 79>, scalar_prefetch = 0 : i64, scratch_operands = 0 : i64, tpu.core_type = #tpu.core_type<tc>, window_params = [{transform_indices = @transform_0, window_bounds = array<i64: 2, 128, 128>}, {transform_indices = @transform_1, window_bounds = array<i64: 2, 128, 128>}, {pipeline_mode = #tpu.pipeline_mode<synchronous>, transform_indices = @transform_2, window_bounds = array<i64: 1, 256>}, {pipeline_mode = #tpu.pipeline_mode<synchronous>, transform_indices = @transform_3, window_bounds = array<i64: 256, 256>}, {transform_indices = @transform_4, window_bounds = array<i64: 2, 128, 128>}]} {
    %get3A = arith.constant 0 : index
    %get3A_0 = arith.constant 0 : index
    %get3A_1 = arith.constant 0 : index
    %get3A_2 = vector.load %arg1[%get3A, %get3A_0, %get3A_1] : memref<2x128x128xf32, #tpu.memory_space<vmem>>, vector<1x128x128xf32>
    %get3A_3 = vector.shape_cast %get3A_2 : vector<1x128x128xf32> to vector<128x128xf32>
    %get3A_4 = arith.constant 1 : index
    %get3A_5 = arith.constant 0 : index
    %get3A_6 = arith.constant 0 : index
    %get3A_7 = vector.load %arg1[%get3A_4, %get3A_5, %get3A_6] : memref<2x128x128xf32, #tpu.memory_space<vmem>>, vector<1x128x128xf32>
    %get3A_8 = vector.shape_cast %get3A_7 : vector<1x128x128xf32> to vector<128x128xf32>
    %concatenate3A = tpu.concatenate %get3A_3, %get3A_8 in 1 : vector<128x128xf32>, vector<128x128xf32> -> vector<128x256xf32>
    %get3A_9 = arith.constant 1 : index
    %get3A_10 = arith.constant 0 : index
    %get3A_11 = arith.constant 0 : index
    %get3A_12 = vector.load %arg2[%get3A_9, %get3A_10, %get3A_11] : memref<2x128x128xf32, #tpu.memory_space<vmem>>, vector<1x128x128xf32>
    %get3A_13 = vector.shape_cast %get3A_12 : vector<1x128x128xf32> to vector<128x128xf32>
    %slice3A = vector.extract_strided_slice %get3A_13 {offsets = [0, 0], sizes = [128, 1], strides = [1, 1]} : vector<128x128xf32> to vector<128x1xf32>
    %jit3A = arith.constant 1.000000e+00 : f32
    %max3A = vector.broadcast %jit3A : f32 to vector<128x1xf32>
    %max3A_14 = arith.maximumf %max3A, %slice3A : vector<128x1xf32>
    %rsqrt3A = math.rsqrt %max3A_14 : vector<128x1xf32>
    %get3A_15 = arith.constant 0 : index
    %get3A_16 = arith.constant 0 : index
    %get3A_17 = arith.constant 0 : index
    %get3A_18 = vector.load %arg2[%get3A_15, %get3A_16, %get3A_17] : memref<2x128x128xf32, #tpu.memory_space<vmem>>, vector<1x128x128xf32>
    %get3A_19 = vector.shape_cast %get3A_18 : vector<1x128x128xf32> to vector<128x128xf32>
    %slice3A_20 = vector.extract_strided_slice %get3A_19 {offsets = [0, 0], sizes = [128, 1], strides = [1, 1]} : vector<128x128xf32> to vector<128x1xf32>
    %jit3A_21 = arith.constant 1.000000e+00 : f32
    %max3A_22 = vector.broadcast %jit3A_21 : f32 to vector<128x1xf32>
    %max3A_23 = arith.maximumf %max3A_22, %slice3A_20 : vector<128x1xf32>
    %rsqrt3A_24 = math.rsqrt %max3A_23 : vector<128x1xf32>
    %mul3A = vector.broadcast %rsqrt3A : vector<128x1xf32> to vector<128x256xf32>
    %mul3A_25 = arith.mulf %concatenate3A, %mul3A : vector<128x256xf32>
    %get3A_26 = arith.constant 0 : index
    %get3A_27 = arith.constant 0 : index
    %get3A_28 = vector.load %arg3[%get3A_26, %get3A_27] : memref<1x256xf32, #tpu.memory_space<vmem>>, vector<1x256xf32>
    %add3A = vector.broadcast %get3A_28 : vector<1x256xf32> to vector<128x256xf32>
    %add3A_29 = arith.addf %mul3A_25, %add3A : vector<128x256xf32>
    %max3A_30 = arith.constant 0.000000e+00 : f32
    %max3A_31 = vector.broadcast %max3A_30 : f32 to vector<128x256xf32>
    %max3A_32 = arith.maximumf %add3A_29, %max3A_31 : vector<128x256xf32>
    %mul3A_33 = arith.constant 128 : i32
    %mul3A_34 = arith.muli %arg0, %mul3A_33 : i32
    %iota3A = tpu.iota {dimensions = array<i32: 0>} : vector<128x1xi32>
    %add3A_35 = vector.broadcast %mul3A_34 : i32 to vector<128x1xi32>
    %add3A_36 = arith.addi %add3A_35, %iota3A : vector<128x1xi32>
    %lt3A = arith.constant 10000 : i32
    %lt3A_37 = vector.broadcast %lt3A : i32 to vector<128x1xi32>
    %lt3A_38 = arith.cmpi slt, %add3A_36, %lt3A_37 : vector<128x1xi32>
    %jit3A_39 = arith.constant 0.000000e+00 : f32
    %broadcast_in_dim3A = vector.shape_cast %lt3A_38 : vector<128x1xi1> to vector<128x1xi1>
    %broadcast_in_dim3A_40 = vector.broadcast %broadcast_in_dim3A : vector<128x1xi1> to vector<128x256xi1>
    %broadcast_in_dim3A_41 = vector.broadcast %jit3A_39 : f32 to vector<128x256xf32>
    %select_n3A = arith.select %broadcast_in_dim3A_40, %max3A_32, %broadcast_in_dim3A_41 : vector<128x256xi1>, vector<128x256xf32>
    %mul3A_42 = vector.broadcast %rsqrt3A_24 : vector<128x1xf32> to vector<128x256xf32>
    %mul3A_43 = arith.mulf %select_n3A, %mul3A_42 : vector<128x256xf32>
    %get3A_44 = arith.constant 0 : index
    %get3A_45 = arith.constant 0 : index
    %get3A_46 = vector.load %arg4[%get3A_44, %get3A_45] : memref<256x256xf32, #tpu.memory_space<vmem>>, vector<256x256xf32>
    %dot_general3A = arith.constant dense<0.000000e+00> : vector<128x256xf32>
    %dot_general3A_47 = tpu.matmul %mul3A_43, %get3A_46, %dot_general3A {dimension_numbers = #tpu.dot_dimension_numbers<[1], [0], [0], [1], [0, 0, 1, 1], [], []>, transpose_lhs_hint = false} : vector<128x256xf32>, vector<256x256xf32>, vector<128x256xf32> -> vector<128x256xf32>
    %slice3A_48 = vector.extract_strided_slice %dot_general3A_47 {offsets = [0, 0], sizes = [128, 128], strides = [1, 1]} : vector<128x256xf32> to vector<128x128xf32>
    %swap3A = arith.constant 0 : index
    %swap3A_49 = arith.constant 0 : index
    %swap3A_50 = arith.constant 0 : index
    %swap3A_51 = vector.load %arg5[%swap3A, %swap3A_49, %swap3A_50] : memref<2x128x128xf32, #tpu.memory_space<vmem>>, vector<1x128x128xf32>
    %swap3A_52 = vector.shape_cast %swap3A_51 : vector<1x128x128xf32> to vector<128x128xf32>
    %swap3A_53 = vector.shape_cast %slice3A_48 : vector<128x128xf32> to vector<1x128x128xf32>
    tpu.vector_store %arg5[%swap3A, %swap3A_49, %swap3A_50], %swap3A_53 {strides = array<i32>} : memref<2x128x128xf32, #tpu.memory_space<vmem>>, vector<1x128x128xf32>,
    %slice3A_54 = vector.extract_strided_slice %dot_general3A_47 {offsets = [0, 128], sizes = [128, 128], strides = [1, 1]} : vector<128x256xf32> to vector<128x128xf32>
    %swap3A_55 = arith.constant 1 : index
    %swap3A_56 = arith.constant 0 : index
    %swap3A_57 = arith.constant 0 : index
    %swap3A_58 = vector.load %arg5[%swap3A_55, %swap3A_56, %swap3A_57] : memref<2x128x128xf32, #tpu.memory_space<vmem>>, vector<1x128x128xf32>
    %swap3A_59 = vector.shape_cast %swap3A_58 : vector<1x128x128xf32> to vector<128x128xf32>
    %swap3A_60 = vector.shape_cast %slice3A_54 : vector<128x128xf32> to vector<1x128x128xf32>
    tpu.vector_store %arg5[%swap3A_55, %swap3A_56, %swap3A_57], %swap3A_60 {strides = array<i32>} : memref<2x128x128xf32, #tpu.memory_space<vmem>>, vector<1x128x128xf32>,
    return
  }
  func.func @transform_0(%arg0: i32) -> (i32, i32, i32) {
    %c0_i32 = arith.constant 0 : i32
    %c0_i32_0 = arith.constant 0 : i32
    %c0_i32_1 = arith.constant 0 : i32
    return %c0_i32, %arg0, %c0_i32_0 : i32, i32, i32
  }
  func.func @transform_1(%arg0: i32) -> (i32, i32, i32) {
    %c0_i32 = arith.constant 0 : i32
    %c0_i32_0 = arith.constant 0 : i32
    %c0_i32_1 = arith.constant 0 : i32
    return %c0_i32, %arg0, %c0_i32_0 : i32, i32, i32
  }
  func.func @transform_2(%arg0: i32) -> (i32, i32) {
    %c0_i32 = arith.constant 0 : i32
    %c0_i32_0 = arith.constant 0 : i32
    %c0_i32_1 = arith.constant 0 : i32
    return %c0_i32, %c0_i32_0 : i32, i32
  }
  func.func @transform_3(%arg0: i32) -> (i32, i32) {
    %c0_i32 = arith.constant 0 : i32
    %c0_i32_0 = arith.constant 0 : i32
    %c0_i32_1 = arith.constant 0 : i32
    return %c0_i32, %c0_i32_0 : i32, i32
  }
  func.func @transform_4(%arg0: i32) -> (i32, i32, i32) {
    %c0_i32 = arith.constant 0 : i32
    %c0_i32_0 = arith.constant 0 : i32
    %c0_i32_1 = arith.constant 0 : i32
    return %c0_i32, %arg0, %c0_i32_0 : i32, i32, i32
  }
}

module attributes {stable_mosaic.version = 14 : i64} {
  func.func @_final_body(%arg0: i32, %arg1: memref<2x128x128xf32, #tpu.memory_space<vmem>>, %arg2: memref<2x128x128xf32, #tpu.memory_space<vmem>>, %arg3: memref<1x256xf32, #tpu.memory_space<vmem>>, %arg4: memref<128x256xf32, #tpu.memory_space<vmem>>) attributes {dimension_semantics = [#tpu.dimension_semantics<arbitrary>], iteration_bounds = array<i64: 79>, scalar_prefetch = 0 : i64, scratch_operands = 0 : i64, tpu.core_type = #tpu.core_type<tc>, window_params = [{transform_indices = @transform_0, window_bounds = array<i64: 2, 128, 128>}, {transform_indices = @transform_1, window_bounds = array<i64: 2, 128, 128>}, {pipeline_mode = #tpu.pipeline_mode<synchronous>, transform_indices = @transform_2, window_bounds = array<i64: 1, 256>}, {transform_indices = @transform_3, window_bounds = array<i64: 128, 256>}]} {
    %get3A = arith.constant 0 : index
    %get3A_0 = arith.constant 0 : index
    %get3A_1 = arith.constant 0 : index
    %get3A_2 = vector.load %arg1[%get3A, %get3A_0, %get3A_1] : memref<2x128x128xf32, #tpu.memory_space<vmem>>, vector<1x128x128xf32>
    %get3A_3 = vector.shape_cast %get3A_2 : vector<1x128x128xf32> to vector<128x128xf32>
    %get3A_4 = arith.constant 1 : index
    %get3A_5 = arith.constant 0 : index
    %get3A_6 = arith.constant 0 : index
    %get3A_7 = vector.load %arg1[%get3A_4, %get3A_5, %get3A_6] : memref<2x128x128xf32, #tpu.memory_space<vmem>>, vector<1x128x128xf32>
    %get3A_8 = vector.shape_cast %get3A_7 : vector<1x128x128xf32> to vector<128x128xf32>
    %concatenate3A = tpu.concatenate %get3A_3, %get3A_8 in 1 : vector<128x128xf32>, vector<128x128xf32> -> vector<128x256xf32>
    %get3A_9 = arith.constant 1 : index
    %get3A_10 = arith.constant 0 : index
    %get3A_11 = arith.constant 0 : index
    %get3A_12 = vector.load %arg2[%get3A_9, %get3A_10, %get3A_11] : memref<2x128x128xf32, #tpu.memory_space<vmem>>, vector<1x128x128xf32>
    %get3A_13 = vector.shape_cast %get3A_12 : vector<1x128x128xf32> to vector<128x128xf32>
    %slice3A = vector.extract_strided_slice %get3A_13 {offsets = [0, 0], sizes = [128, 1], strides = [1, 1]} : vector<128x128xf32> to vector<128x1xf32>
    %jit3A = arith.constant 1.000000e+00 : f32
    %max3A = vector.broadcast %jit3A : f32 to vector<128x1xf32>
    %max3A_14 = arith.maximumf %max3A, %slice3A : vector<128x1xf32>
    %rsqrt3A = math.rsqrt %max3A_14 : vector<128x1xf32>
    %mul3A = vector.broadcast %rsqrt3A : vector<128x1xf32> to vector<128x256xf32>
    %mul3A_15 = arith.mulf %concatenate3A, %mul3A : vector<128x256xf32>
    %get3A_16 = arith.constant 0 : index
    %get3A_17 = arith.constant 0 : index
    %get3A_18 = vector.load %arg3[%get3A_16, %get3A_17] : memref<1x256xf32, #tpu.memory_space<vmem>>, vector<1x256xf32>
    %add3A = vector.broadcast %get3A_18 : vector<1x256xf32> to vector<128x256xf32>
    %add3A_19 = arith.addf %mul3A_15, %add3A : vector<128x256xf32>
    %swap3A = arith.constant 0 : index
    %swap3A_20 = arith.constant 0 : index
    %swap3A_21 = vector.load %arg4[%swap3A, %swap3A_20] : memref<128x256xf32, #tpu.memory_space<vmem>>, vector<128x256xf32>
    tpu.vector_store %arg4[%swap3A, %swap3A_20], %add3A_19 {strides = array<i32>} : memref<128x256xf32, #tpu.memory_space<vmem>>, vector<128x256xf32>,
    return
  }
  func.func @transform_0(%arg0: i32) -> (i32, i32, i32) {
    %c0_i32 = arith.constant 0 : i32
    %c0_i32_0 = arith.constant 0 : i32
    %c0_i32_1 = arith.constant 0 : i32
    return %c0_i32, %arg0, %c0_i32_0 : i32, i32, i32
  }
  func.func @transform_1(%arg0: i32) -> (i32, i32, i32) {
    %c0_i32 = arith.constant 0 : i32
    %c0_i32_0 = arith.constant 0 : i32
    %c0_i32_1 = arith.constant 0 : i32
    return %c0_i32, %arg0, %c0_i32_0 : i32, i32, i32
  }
  func.func @transform_2(%arg0: i32) -> (i32, i32) {
    %c0_i32 = arith.constant 0 : i32
    %c0_i32_0 = arith.constant 0 : i32
    %c0_i32_1 = arith.constant 0 : i32
    return %c0_i32, %c0_i32_0 : i32, i32
  }
  func.func @transform_3(%arg0: i32) -> (i32, i32) {
    %c0_i32 = arith.constant 0 : i32
    %c0_i32_0 = arith.constant 0 : i32
    return %arg0, %c0_i32 : i32, i32
  }
}

</mosaic_0001>

<sc_bundles>
// kernel: kernel.11.cloned.1.call-start
scs
__scs_entry_jumppad:
0x0: {  	(pc) =	sbr.rel $0x88, $3  }
0x1: {  	(tag) =	ssettag $0x0;
	lr =	simm.s32 $0x1  }
0x2: {  	[smem:$0x3F9B] =	sst lr;
	_ =	strace $0xD0000000  }
0x3: {  	_ = 	snop  }
0x4: {  	_ = 	snop  }
0x5: {  	_ = 	snop  }
0x6: {  	_ = 	snop  }
0x7: {  	_ = 	snop  }
__scs_overlays_trampoline_lowered:
0x8: {  	[smem:$0x3FAA] =	sst s0  }
0x9: {  	[smem:$0x3FAB] =	sst s1  }
0xa: {  	[smem:$0x3FAC] =	sst s2  }
0xb: {  	[smem:$0x3FAD] =	sst s3  }
0xc: {  	[smem:$0x3FAE] =	sst s4  }
0xd: {  	[smem:$0x3FAF] =	sst s5  }
0xe: {  	[smem:$0x3FB0] =	sst s6  }
0xf: {  	[smem:$0x3FB1] =	sst s7  }
0x10: {  	[smem:$0x3FB2] =	sst s8  }
0x11: {  	[smem:$0x3FB3] =	sst s9;
	s0 =	simm.s32 @!p0 $0x0  }
0x12: {  	s1 =	sld [smem:$0x3F99];
	s0 =	simm.s32 @p0 $0x1  }
0x13: {  	[smem:$0x3FB4] =	sst s0;
	s0 =	simm.s32 @!p1 $0x0  }
0x14: {  	s2 =	sld [smem:$0x3F98];
	s0 =	simm.s32 @p1 $0x1  }
0x15: {  	[smem:$0x3FB5] =	sst s0;
	s0 =	simm.s32 @!p2 $0x0  }
0x16: {  	s3 =	sld [smem:$0x3FDB];
	s0 =	simm.s32 @p2 $0x1  }
0x17: {  	s4 =	simm.s32 $0x1BF5;
	[smem:$0x3FB7] =	sst s0  }
0x18: {  	s0 =	sld [smem:$0x3F9A];
	_ =	swait.ge [sflag:s4], $0x0  }
0x19: {  	s7 =	sld [smem:$0x3F9B]  }
0x1a: {  	s8 =	sadd.s32 $0xFFFFE003, lr  }
0x1b: {  	s9 =	sadd.s32 $0xFFFFFEF7, lr;
	s5 =	simm.s32 $0xFFFFFFFF;
	p2 =	slt.u32 s8, $0xFFFFF086  }
0x1c: {  	p1 =	slt.u32 s9, $0xF7A;
	s5 =	simm.s32 @!p2 $0x0  }
0x1d: {  	s5 =	simm.s32 @p1 $0x1;
	p0 =	seq.s32 s7, s2  }
0x1e: {  	s7 =	smul.u32 @!p0 $0xF7A, s2;
	p2 =	seq.s32 @!p0 s5, $0x0  }
0x1f: {  	s9 =	smul.u32 $0xF7A, s1;
	s8 =	simm.s32 @!p0 $0x1BF5;
	p2 =	por !p2, p0  }
0x20: {  	[sflag:s8] =	ssyncset.s32 @!p0 $0xFFFFF086;
	s6 =	sadd.s32 @!p0 s3, s7;
	s7 =	simm.s32 @!p0 $0x108  }
0x21: {  	s3 =	sadd.s32 s3, s9;
	s6 =	sadd.s32 @!p0 $0x88, s6;
	s7 =	simm.s32 @p2 $0x1082  }
0x22: {  	[simem:s7], [sflag:s8] =	dma.local @!p0 [hbm:s6], $0xF7A  }
0x23: {  	s9 =	sor.u32 $0xD0000000, s2;
	s6 =	simm.s32 $0x108;
	_ =	swait.ge @!p0 [sflag:s8], $0x0  }
0x24: {  	s3 =	sadd.s32 $0x88, s3;
	s6 =	simm.s32 @!p1 $0x1082;
	[sflag:s4] =	ssyncset.s32 $0xFFFFF086  }
0x25: {  	[simem:s6], [sflag:s4] =	dma.local [hbm:s3], $0xF7A  }
0x26: {  	[smem:$0x3F9B] =	sst s1;
	(tag) =	ssettag s2;
	_ =	strace s9  }
0x27: {  	s1 =	sld [smem:$0x3FAB]  }
0x28: {  	s2 =	sld [smem:$0x3FAC]  }
0x29: {  	s4 =	sld [smem:$0x3FAE]  }
0x2a: {  	p0 =	seq.s32 s5, $0x0;
	s5 =	sld [smem:$0x3FAF]  }
0x2b: {  	s6 =	sld [smem:$0x3FB0]  }
0x2c: {  	s7 =	sld [smem:$0x3FB1]  }
0x2d: {  	s3 =	simm.s32 $0x108;
	s8 =	sld [smem:$0x3FB2]  }
0x2e: {  	s3 =	simm.s32 @!p0 $0x1082;
	s9 =	sld [smem:$0x3FB3]  }
0x2f: {  	lr =	sadd.s32 s0, s3;
	s0 =	sld [smem:$0x3FAA]  }
0x30: {  	s3 =	sld [smem:$0x3FAD]  }
0x31: {  	[smem:$0x3FB6] =	sst s10  }
0x32: {  	s10 =	sld [smem:$0x3FB4];
	_ =	sdelay $0x3  }
0x33: {  	p0 =	seq.s32 s10, $0x1;
	s10 =	sld [smem:$0x3FB6];
	_ =	sdelay $0x3  }
0x34: {  	[smem:$0x3FB6] =	sst s10  }
0x35: {  	s10 =	sld [smem:$0x3FB5];
	_ =	sdelay $0x3  }
0x36: {  	p1 =	seq.s32 s10, $0x1;
	s10 =	sld [smem:$0x3FB6];
	_ =	sdelay $0x3  }
0x37: {  	[smem:$0x3FB6] =	sst s10  }
0x38: {  	s10 =	sld [smem:$0x3FB7]  }
0x39: {  	_ = 	snop;
	(pc) =	sbr.ind lr, $3  }
0x3a: {  	_ = 	snop  }
0x3b: {  	_ = 	snop  }
0x3c: {  	p2 =	seq.s32 s10, $0x1;
	s10 =	sld [smem:$0x3FB6]  }
0x3d: {  	_ =	shalt  }
0x3e: {  	_ =	shalt  }
0x3f: {  	_ =	shalt  }
0x40: {  	_ =	shalt  }
0x41: {  	_ =	shalt  }
0x42: {  	_ =	shalt  }
0x43: {  	_ =	shalt  }
0x44: {  	_ =	shalt  }
0x45: {  	_ =	shalt  }
0x46: {  	_ =	shalt  }
0x47: {  	_ =	shalt  }
0x48: {  	_ =	shalt  }
0x49: {  	_ =	shalt  }
0x4a: {  	_ =	shalt  }
0x4b: {  	_ =	shalt  }
0x4c: {  	_ =	shalt  }
0x4d: {  	_ =	shalt  }
0x4e: {  	_ =	shalt  }
0x4f: {  	_ =	shalt  }
0x50: {  	_ =	shalt  }
0x51: {  	_ =	shalt  }
0x52: {  	_ =	shalt  }
0x53: {  	_ =	shalt  }
0x54: {  	_ =	shalt  }
0x55: {  	_ =	shalt  }
0x56: {  	_ =	shalt  }
0x57: {  	_ =	shalt  }
0x58: {  	_ =	shalt  }
0x59: {  	_ =	shalt  }
0x5a: {  	_ =	shalt  }
0x5b: {  	_ =	shalt  }
0x5c: {  	_ =	shalt  }
0x5d: {  	_ =	shalt  }
0x5e: {  	_ =	shalt  }
0x5f: {  	_ =	shalt  }
0x60: {  	_ =	shalt  }
0x61: {  	_ =	shalt  }
0x62: {  	_ =	shalt  }
0x63: {  	_ =	shalt  }
0x64: {  	_ =	shalt  }
0x65: {  	_ =	shalt  }
0x66: {  	_ =	shalt  }
0x67: {  	_ =	shalt  }
0x68: {  	_ =	shalt  }
0x69: {  	_ =	shalt  }
0x6a: {  	_ =	shalt  }
0x6b: {  	_ =	shalt  }
0x6c: {  	_ =	shalt  }
0x6d: {  	_ =	shalt  }
0x6e: {  	_ =	shalt  }
0x6f: {  	_ =	shalt  }
0x70: {  	_ =	shalt  }
0x71: {  	_ =	shalt  }
0x72: {  	_ =	shalt  }
0x73: {  	_ =	shalt  }
0x74: {  	_ =	shalt  }
0x75: {  	_ =	shalt  }
0x76: {  	_ =	shalt  }
0x77: {  	_ =	shalt  }
0x78: {  	_ =	shalt  }
0x79: {  	_ =	shalt  }
0x7a: {  	_ =	shalt  }
0x7b: {  	_ =	shalt  }
0x7c: {  	_ =	shalt  }
0x7d: {  	_ =	shalt  }
0x7e: {  	_ =	shalt  }
0x7f: {  	_ =	shalt  }
0x80: {  	_ =	shalt  }
0x81: {  	_ =	shalt  }
0x82: {  	_ =	shalt  }
0x83: {  	_ =	shalt  }
0x84: {  	_ =	shalt  }
0x85: {  	_ =	shalt  }
0x86: {  	_ =	shalt  }
0x87: {  	_ =	shalt  }
.Lfunc_end0:
.L_simem_size_0:
called_computation.1_lowered:
.L_overlay_start_0:
0x88: {  	s2 =	sld [smem:$0x3FD9]  }
0x89: {  	s3 =	sld [smem:$0x3FFE];
	_ =	sdelay $0x1  }
0x8a: {  	s1 =	srdreg.scid  }
0x8b: {  	s0 =	sand.u32 $0x1, s1  }
0x8c: {  	s17 =	sshll.u32 s0, $0xA;
	s2 =	sadd.s32 s3, s2  }
0x8d: {  	s2 =	sadd.s32 s2, s17  }
0x8e: {  	[smem:$0x3FC2] =	sst s2  }
0x8f: {  	_ = 	snop  }
0x90: {  	s2 =	sld [smem:$0x3FD0];
	(tm) =	ssettm $0x1  }
0x91: {  	s18 =	sld [smem:$0x3FFB];
	_ =	sdelay $0x3  }
0x92: {  	_ =	strace s18  }
0x93: {  	s3 =	sld [smem:$0x3FFC];
	_ =	sdelay $0x3  }
0x94: {  	_ =	strace s3  }
0x95: {  	s3 =	sld [smem:$0x3FFD];
	_ =	sdelay $0x3  }
0x96: {  	_ =	strace s3  }
0x97: {  	_ =	strace $0x8FFFFFFF  }
0x98: {  	s19 =	sld [smem:$0x3FDB];
	_ =	sdelay $0x1  }
0x99: {  	s4 =	simm.s32 $_scs_section_size  }
0x9a: {  	s5 =	simm.s32 $_size__tile_overlayer_lowered;
	s6 =	simm.s32 $_tile_overlayer_lowered  }
0x9b: {  	s22 =	simm.s32 $0x1BFF;
	s21 =	sshll.u32 s6, $0x1;
	s3 =	sadd.s32 s4, s19  }
0x9c: {  	s7 =	simm.s32 $0x0;
	s20 =	sshll.u32 s5, $0x1;
	s5 =	sadd.s32 s21, s3  }
0x9d: {  	[timem:s7], [sflag:s22] =	dma.local [hbm:s5], s20  }
0x9e: {  	_ =	swait.ge [sflag:s22], s20  }
0x9f: {  	s4 =	ssub.s32 $0x0, s20;
	[sflag:s22] =	ssyncset.done $0x0  }
0xa0: {  	[sflag:s22] =	ssyncadd.s32 s4;
	_ =	sdelay $0x1  }
0xa1: {  	s23 =	simm.s32 $0x1B8B  }
0xa2: {  	_ =	swait.ge [sflag:s23], $0x1  }
0xa3: {  	[sflag:s23] =	ssyncset.done $0x0  }
0xa4: {  	s25 =	simm.s32 $0x1B8E;
	s24 =	sld [smem:$0x3FFE];
	[sflag:s23] =	ssyncadd.s32 $0xFFFFFFFF  }
0xa5: {  	s26 =	simm.s32 $execute0_lowered;
	[smem:$0x3FD2] =	sst s25  }
0xa6: {  	s5 =	sshll.u32 s26, $0x1;
	_ =	strace $0x80000049;
	[dreg:$0x1] =	wrdreg $0xFFFFFFFF  }
0xa7: {  	s28 =	simm.s32 $_size_execute0_lowered;
	s3 =	sadd.s32 s3, s5;
	[dreg:$0x0] =	wrdreg $0x0  }
0xa8: {  	s5 =	sshll.u32 s28, $0x1;
	[dreg:$0x2] =	wrdreg s3  }
0xa9: {  	[dreg:$0x3] =	wrdreg s5  }
0xaa: {  	[dreg:$0x4] =	wrdreg $0xC0  }
0xab: {  	_ =	task [dreg:s7], $0x5FFFF  }
0xac: {  	[dreg:$0x1] =	wrdreg $0xFFFFFFFF  }
0xad: {  	[dreg:$0x0] =	wrdreg $0x60  }
0xae: {  	[dreg:$0x2] =	wrdreg s24  }
0xaf: {  	[dreg:$0x3] =	wrdreg s2  }
0xb0: {  	[dreg:$0x4] =	wrdreg $0xA8000  }
0xb1: {  	[dreg:$0x5] =	wrdreg $0x9  }
0xb2: {  	_ =	task.clear_ibuf [dreg:s7], $0x6FFFF;
	_ =	strace $0x90000049  }
0xb3: {  	s29 =	simm.s32 $0x9;
	_ =	strace $0x8000004B  }
0xb4: {  	_ =	swait.ge [sflag:s29], $0x1  }
0xb5: {  	[sflag:s29] =	ssyncadd.s32 $0xFFFFFFFF  }
0xb6: {  	_ =	strace $0x9000004B  }
0xb7: {  	_ =	sfence  }
0xb8: {  	s30 =	sld [smem:$0x0];
	_ =	sdelay $0x2  }
0xb9: {  	s31 =	sshll.u32 s1, $0xD;
	s1 =	sshrl.u32 s1, $0x2  }
0xba: {  	s3 =	sand.u32 $0x4000, s31;
	s1 =	sadd.s32 s1, s30  }
0xbb: {  	s0 =	sor.u32 s3, s0;
	s1 =	sshll.u32 s1, $0x11  }
0xbc: {  	s0 =	sor.u32 s1, s0  }
0xbd: {  	s0 =	sadd.s32 $0x8F2B, s0  }
0xbe: {  	[sflag:s0] =	ssyncadd.remote.s32 $0x1  }
0xbf: {  	_ =	sfence.sel $0xFFFF  }
0xc0: {  	[dreg:$0x0] =	wrdreg $0xFFFFFFFF;
	(pc) =	sbr.abs _section_cstart, $3  }
0xc1: {  	[dreg:$0x1] =	wrdreg $0xFFFFFFFF  }
0xc2: {  	_ =	task.clear_ibuf [dreg:s7], $0x2FFFF;
	_ =	strace $0x9FFFFFFF  }
0xc3: {  	(tm) =	ssettm $0x7FFFFFFF  }
tec
execute0_lowered:
.L_overlay_start_1:
0x0: {  	(tag) =	ssettag $0x1  }
0x1: {  	s6 =	rddreg [dreg:$0x0]  }
0x2: {  	s1 =	rddreg [dreg:$0x1]  }
0x3: {  	s2 =	rddreg [dreg:$0x2];
	s3 =	simm.s32 $0x0;
	s4 =	srdreg.scid  }
0x4: {  	s13 =	simm.s32 $0x80;
	s14 =	simm.s32 $0x100;
	s15 =	simm.s32 $0x1400  }
0x5: {  	s16 =	simm.s32 $0x40;
	s17 =	simm.s32 $0x2800;
	s18 =	simm.s32 $0x4800  }
0x6: {  	s19 =	simm.s32 $0x6800;
	s20 =	simm.s32 $0xC0;
	s21 =	simm.s32 $0x8800  }
0x7: {  	s22 =	simm.s32 $0x1;
	s23 =	simm.s32 $0x2;
	s28 =	simm.s32 $0x2780  }
0x8: {  	s29 =	simm.s32 $0x27C0;
	[smem:$0x7FF] =	sst s3;
	s7 =	sand.u32 $0x1, s4  }
0x9: {  	s4 =	stileid.u32;
	s5 =	sadd.s32 $0x3400, s6;
	s8 =	smul.u32 $0x27800, s7  }
0xa: {  	_ =	strace $0x8000004A;
	s9 =	smul.u32 $0x4F000, s4;
	s26 =	ssub.s32 $0x2, s7  }
0xb: {  	s31 =	sshll.u32 s4, $0x6;
	s25 =	smul.u32 $0x2780, s4;
	s7 =	sshrl.u32 s26, $0x1  }
0xc: {  	s10 =	sadd.s32 s8, s6;
	s30 =	sshrl.u32 s9, $0x2;
	s11 =	ssub.s32 s26, s7  }
0xd: {  	s6 =	sor.u32 $0x1C03, s31;
	s7 =	smul.u32 $0xA0, s4;
	s8 =	sadd.s32 $0x10, s1  }
0xe: {  	s26 =	simm.s32 $0x2740;
	s12 =	sadd.s32 s30, s2;
	s9 =	sadd.s32 $0x54C00, s10  }
0xf: {  	s24 =	sadd.s32 $0xA3C00, s10;
	s10 =	smax.u32 s11, $0x1;
	s11 =	sshrl.u32 s12, $0x3  }
0x10: {  	s12 =	simm.s32 $0x3;
	s24 =	sadd.s32 s25, s24;
	s25 =	simm.s32 $0x2700  }
.LBB2_1:
0x11: {  	[spmem:s11], [sflag:s6] =	dma.local [hbm:s5], $0x2780  }
0x12: {  	_ =	swait.ge [sflag:s12], $0x2780  }
0x13: {  	[sflag:s12] =	ssyncset.done $0x0  }
0x14: {  	[sflag:s12] =	ssyncadd.s32 $0xFFFFD880  }
0x15: {  	p1 =	por $0x1, $0x1;
	s30 =	simm.s32 $0x0;
	[bflag:$0x0] =	sbarrier.arrive $0xFFFF  }
.LBB2_2:
0x16: {  	s30 =	sadd.s32 s7, s30  }
0x17: {  	s30 =	sshll.u32 s30, $0x4  }
0x18: {  	s0 =	simm.s32 $0x0;
	s31 =	sadd.s32 s1, s30  }
0x19: {  	[tilespmem:s0], [sflag:$0x3] =	stream.strided.gather [hbm4b:s31+s13], $0x1400, s14, s13, $0x38;
	[tilespmem:$0x1E400] =	vst v63  }
0x1a: {  	_ =	swait.ge [sflag:s12], $0x1400  }
0x1b: {  	[sflag:s12] =	ssyncset.done $0x0  }
0x1c: {  	s30 =	sadd.s32 s30, s8;
	[sflag:s12] =	ssyncadd.s32 $0xFFFFEC00  }
0x1d: {  	[tilespmem:s15], [sflag:$0x3] =	stream.strided.gather [hbm4b:s30+s13], $0x1400, s14, s13, $0x38;
	[tilespmem:$0x1E400] =	vst v63  }
0x1e: {  	_ =	swait.ge [sflag:s12], $0x1400  }
0x1f: {  	[sflag:s12] =	ssyncset.done $0x0  }
0x20: {  	[sflag:s12] =	ssyncadd.s32 $0xFFFFEC00  }
0x21: {  	[tilespmem:s17], [sflag:$0x1] =	stream.indirect.gather [hbm4b:s9+s16], $0x80, s0, s16, $0xb8;
	[tilespmem:$0x1E400] =	vst v63  }
0x22: {  	_ = 	snop  }
0x23: {  	[tilespmem:s18], [sflag:$0x1] =	stream.indirect.gather [hbm4b:s9+s16], $0x80, s16, s16, $0xb8;
	[tilespmem:$0x1E400] =	vst v63  }
0x24: {  	_ = 	snop  }
0x25: {  	[tilespmem:s19], [sflag:$0x1] =	stream.indirect.gather [hbm4b:s9+s16], $0x80, s13, s16, $0xb8;
	[tilespmem:$0x1E400] =	vst v63  }
0x26: {  	_ = 	snop  }
0x27: {  	[tilespmem:s21], [sflag:$0x1] =	stream.indirect.gather [hbm4b:s9+s16], $0x80, s20, s16, $0xb8;
	[tilespmem:$0x1E400] =	vst v63  }
0x28: {  	_ =	swait.ge [sflag:s22], $0x2000  }
0x29: {  	[sflag:s22] =	ssyncset.done $0x0  }
0x2a: {  	s0 =	simm.s32 $0x1400;
	[sflag:s22] =	ssyncadd.s32 $0xFFFFE000  }
0x2b: {  	[spmem:s2] =	stream.indirect.scatter.add.f32 [tilespmem:s17], [sflag:$0x2], $0x80, s0, s16, $0xb8;
	[tilespmem:$0x1E400] =	vst v63  }
0x2c: {  	_ =	swait.ge [sflag:s23], $0x2000  }
0x2d: {  	[sflag:s23] =	ssyncset.done $0x0  }
0x2e: {  	s0 =	simm.s32 $0x100;
	[sflag:s23] =	ssyncadd.s32 $0xFFFFE000  }
0x2f: {  	[tilespmem:s17], [sflag:$0x1] =	stream.indirect.gather [hbm4b:s9+s16], $0x80, s0, s16, $0xb8;
	[tilespmem:$0x1E400] =	vst v63  }
0x30: {  	_ =	swait.ge [sflag:s22], $0x2000  }
0x31: {  	[sflag:s22] =	ssyncset.done $0x0  }
0x32: {  	s0 =	simm.s32 $0x1440;
	[sflag:s22] =	ssyncadd.s32 $0xFFFFE000  }
0x33: {  	[spmem:s2] =	stream.indirect.scatter.add.f32 [tilespmem:s18], [sflag:$0x2], $0x80, s0, s16, $0xb8;
	[tilespmem:$0x1E400] =	vst v63  }
0x34: {  	_ =	swait.ge [sflag:s23], $0x2000  }
0x35: {  	[sflag:s23] =	ssyncset.done $0x0  }
0x36: {  	s0 =	simm.s32 $0x140;
	[sflag:s23] =	ssyncadd.s32 $0xFFFFE000  }
0x37: {  	[tilespmem:s18], [sflag:$0x1] =	stream.indirect.gather [hbm4b:s9+s16], $0x80, s0, s16, $0xb8;
	[tilespmem:$0x1E400] =	vst v63  }
0x38: {  	_ =	swait.ge [sflag:s22], $0x2000  }
0x39: {  	[sflag:s22] =	ssyncset.done $0x0  }
0x3a: {  	s0 =	simm.s32 $0x1480;
	[sflag:s22] =	ssyncadd.s32 $0xFFFFE000  }
0x3b: {  	[spmem:s2] =	stream.indirect.scatter.add.f32 [tilespmem:s19], [sflag:$0x2], $0x80, s0, s16, $0xb8;
	[tilespmem:$0x1E400] =	vst v63  }
0x3c: {  	_ =	swait.ge [sflag:s23], $0x2000  }
0x3d: {  	[sflag:s23] =	ssyncset.done $0x0  }
0x3e: {  	s0 =	simm.s32 $0x180;
	[sflag:s23] =	ssyncadd.s32 $0xFFFFE000  }
0x3f: {  	[tilespmem:s19], [sflag:$0x1] =	stream.indirect.gather [hbm4b:s9+s16], $0x80, s0, s16, $0xb8;
	[tilespmem:$0x1E400] =	vst v63  }
0x40: {  	_ =	swait.ge [sflag:s22], $0x2000  }
0x41: {  	[sflag:s22] =	ssyncset.done $0x0  }
0x42: {  	s0 =	simm.s32 $0x14C0;
	[sflag:s22] =	ssyncadd.s32 $0xFFFFE000  }
0x43: {  	[spmem:s2] =	stream.indirect.scatter.add.f32 [tilespmem:s21], [sflag:$0x2], $0x80, s0, s16, $0xb8;
	[tilespmem:$0x1E400] =	vst v63  }
0x44: {  	_ =	swait.ge [sflag:s23], $0x2000  }
0x45: {  	p0 =	por p1, p1;
	[sflag:s23] =	ssyncset.done $0x0  }
0x46: {  	s31 =	simm.s32 $0x1C0;
	s30 =	simm.s32 $0x400;
	[sflag:s23] =	ssyncadd.s32 $0xFFFFE000  }
.LBB2_3:
0x47: {  	[tilespmem:s21], [sflag:$0x1] =	stream.indirect.gather [hbm4b:s9+s16], $0x80, s31, s16, $0xb8;
	[tilespmem:$0x1E400] =	vst v63  }
0x48: {  	s0 =	smov.u32 s30  }
0x49: {  	p1 =	sne.s32 s30, $0x4800;
	s30 =	sadd.s32 $0x400, s30;
	_ =	swait.ge [sflag:s22], $0x2000  }
0x4a: {  	s31 =	sshra.s32 s0, $0x2;
	[sflag:s22] =	ssyncset.done $0x0  }
0x4b: {  	s0 =	sadd.s32 $0x1400, s31;
	[sflag:s22] =	ssyncadd.s32 $0xFFFFE000  }
0x4c: {  	[spmem:s2] =	stream.indirect.scatter.add.f32 [tilespmem:s17], [sflag:$0x2], $0x80, s0, s16, $0xb8;
	[tilespmem:$0x1E400] =	vst v63  }
0x4d: {  	_ =	swait.ge [sflag:s23], $0x2000  }
0x4e: {  	[sflag:s23] =	ssyncset.done $0x0  }
0x4f: {  	s0 =	sadd.s32 $0x100, s31;
	[sflag:s23] =	ssyncadd.s32 $0xFFFFE000  }
0x50: {  	[tilespmem:s17], [sflag:$0x1] =	stream.indirect.gather [hbm4b:s9+s16], $0x80, s0, s16, $0xb8;
	[tilespmem:$0x1E400] =	vst v63  }
0x51: {  	_ =	swait.ge [sflag:s22], $0x2000  }
0x52: {  	[sflag:s22] =	ssyncset.done $0x0  }
0x53: {  	s0 =	sadd.s32 $0x1440, s31;
	[sflag:s22] =	ssyncadd.s32 $0xFFFFE000  }
0x54: {  	[spmem:s2] =	stream.indirect.scatter.add.f32 [tilespmem:s18], [sflag:$0x2], $0x80, s0, s16, $0xb8;
	[tilespmem:$0x1E400] =	vst v63  }
0x55: {  	_ =	swait.ge [sflag:s23], $0x2000  }
0x56: {  	[sflag:s23] =	ssyncset.done $0x0  }
0x57: {  	s0 =	sadd.s32 $0x140, s31;
	[sflag:s23] =	ssyncadd.s32 $0xFFFFE000  }
0x58: {  	[tilespmem:s18], [sflag:$0x1] =	stream.indirect.gather [hbm4b:s9+s16], $0x80, s0, s16, $0xb8;
	[tilespmem:$0x1E400] =	vst v63  }
0x59: {  	_ =	swait.ge [sflag:s22], $0x2000  }
0x5a: {  	[sflag:s22] =	ssyncset.done $0x0  }
0x5b: {  	s0 =	sadd.s32 $0x1480, s31;
	[sflag:s22] =	ssyncadd.s32 $0xFFFFE000  }
0x5c: {  	[spmem:s2] =	stream.indirect.scatter.add.f32 [tilespmem:s19], [sflag:$0x2], $0x80, s0, s16, $0xb8;
	[tilespmem:$0x1E400] =	vst v63  }
0x5d: {  	_ =	swait.ge [sflag:s23], $0x2000  }
0x5e: {  	[sflag:s23] =	ssyncset.done $0x0  }
0x5f: {  	s0 =	sadd.s32 $0x180, s31;
	[sflag:s23] =	ssyncadd.s32 $0xFFFFE000  }
0x60: {  	[tilespmem:s19], [sflag:$0x1] =	stream.indirect.gather [hbm4b:s9+s16], $0x80, s0, s16, $0xb8;
	[tilespmem:$0x1E400] =	vst v63  }
0x61: {  	_ =	swait.ge [sflag:s22], $0x2000  }
0x62: {  	[sflag:s22] =	ssyncset.done $0x0  }
.Ltmp0:
0x63: {  	s0 =	sadd.s32 $0x14C0, s31;
	[sflag:s22] =	ssyncadd.s32 $0xFFFFE000;
	(pc) =	sbr.rel @p1 .LBB2_3-.Ltmp0, $4  }
0x64: {  	[spmem:s2] =	stream.indirect.scatter.add.f32 [tilespmem:s21], [sflag:$0x2], $0x80, s0, s16, $0xb8;
	[tilespmem:$0x1E400] =	vst v63  }
0x65: {  	_ =	swait.ge [sflag:s23], $0x2000  }
0x66: {  	[sflag:s23] =	ssyncset.done $0x0  }
0x67: {  	s31 =	sadd.s32 $0x1C0, s31;
	[sflag:s23] =	ssyncadd.s32 $0xFFFFE000  }
0x68: {  	[tilespmem:s21], [sflag:$0x1] =	stream.indirect.gather [hbm4b:s9+s16], $0x80, s31, s16, $0xb8;
	[tilespmem:$0x1E400] =	vst v63  }
0x69: {  	_ =	swait.ge [sflag:s22], $0x2000  }
0x6a: {  	[sflag:s22] =	ssyncset.done $0x0  }
0x6b: {  	[sflag:s22] =	ssyncadd.s32 $0xFFFFE000  }
0x6c: {  	[spmem:s2] =	stream.indirect.scatter.add.f32 [tilespmem:s17], [sflag:$0x2], $0x80, s25, s16, $0xb8;
	[tilespmem:$0x1E400] =	vst v63  }
0x6d: {  	_ =	swait.ge [sflag:s23], $0x2000  }
0x6e: {  	[sflag:s23] =	ssyncset.done $0x0  }
0x6f: {  	[sflag:s23] =	ssyncadd.s32 $0xFFFFE000  }
0x70: {  	_ =	swait.ge [sflag:s22], $0x2000  }
0x71: {  	[sflag:s22] =	ssyncset.done $0x0  }
0x72: {  	[sflag:s22] =	ssyncadd.s32 $0xFFFFE000  }
0x73: {  	[spmem:s2] =	stream.indirect.scatter.add.f32 [tilespmem:s18], [sflag:$0x2], $0x80, s26, s16, $0xb8;
	[tilespmem:$0x1E400] =	vst v63  }
0x74: {  	_ =	swait.ge [sflag:s23], $0x2000  }
0x75: {  	[sflag:s23] =	ssyncset.done $0x0  }
0x76: {  	[sflag:s23] =	ssyncadd.s32 $0xFFFFE000  }
0x77: {  	_ =	swait.ge [sflag:s22], $0x2000  }
0x78: {  	[sflag:s22] =	ssyncset.done $0x0  }
0x79: {  	[sflag:s22] =	ssyncadd.s32 $0xFFFFE000  }
0x7a: {  	[spmem:s2] =	stream.indirect.scatter.add.f32 [tilespmem:s19], [sflag:$0x2], $0x80, s28, s16, $0xb8;
	[tilespmem:$0x1E400] =	vst v63  }
0x7b: {  	_ =	swait.ge [sflag:s23], $0x2000  }
0x7c: {  	[sflag:s23] =	ssyncset.done $0x0  }
0x7d: {  	[sflag:s23] =	ssyncadd.s32 $0xFFFFE000  }
0x7e: {  	_ =	swait.ge [sflag:s22], $0x2000  }
0x7f: {  	[sflag:s22] =	ssyncset.done $0x0  }
.Ltmp1:
0x80: {  	[sflag:s22] =	ssyncadd.s32 $0xFFFFE000;
	(pc) =	sbr.rel @p0 .LBB2_2-.Ltmp1, $4  }
0x81: {  	[spmem:s2] =	stream.indirect.scatter.add.f32 [tilespmem:s21], [sflag:$0x2], $0x80, s29, s16, $0xb8;
	[tilespmem:$0x1E400] =	vst v63  }
0x82: {  	_ =	swait.ge [sflag:s23], $0x2000  }
0x83: {  	[sflag:s23] =	ssyncset.done $0x0  }
0x84: {  	s30 =	simm.s32 $0x50;
	p1 =	por $0x0, $0x0;
	[sflag:s23] =	ssyncadd.s32 $0xFFFFE000  }
0x85: {  	s3 =	sadd.s32 $0x1, s3  }
0x86: {  	p0 =	sne.s32 s3, s10  }
.Ltmp2:
0x87: {  	[bflag:$0x0] =	sbarrier.arrive $0xFFFF;
	(pc) =	sbr.rel @p0 .LBB2_1-.Ltmp2, $4  }
0x88: {  	[hbm:s24], [sflag:s6] =	dma.local [spmem:s11], $0x2780  }
0x89: {  	_ =	swait.ge [sflag:s12], $0x2780  }
0x8a: {  	[sflag:s12] =	ssyncset.done $0x0  }
0x8b: {  	[sflag:s12] =	ssyncadd.s32 $0xFFFFD880  }
0x8c: {  	_ =	sfence.sel $0x180000  }
0x8d: {  	[bflag:$0x0] =	sbarrier.arrive $0xFFFF  }
0x8e: {  	_ =	strace $0x9000004A  }
0x8f: {  	[bflag:$0x2] =	sbarrier.arrive $0xFFFF  }
0x90: {  	p0 =	sne.s32 s4, $0x0;
	s0 =	rddreg [dreg:$0x3]  }
0x91: {  	s0 =	sadd.s32 @!p0 $0x100000, s0  }
0x92: {  	[sflag:s0] =	ssyncadd.tile.s32 @!p0 $0x1;
	_ =	shalt  }
.Lfunc_end2:
_tile_overlayer_lowered:
.L_overlay_start_2:
0x93: {  	(tag) =	ssettag $0x2  }
0x94: {  	s0 =	rddreg [dreg:$0x0];
	s2 =	stileid.u32  }
0x95: {  	s1 =	rddreg [dreg:$0x1];
	p0 =	sne.s32 s2, $0x0  }
0x96: {  	s3 =	rddreg [dreg:$0x2];
	[bflag:$0x3] =	sbarrier.arrive $0xFFFF;
	s2 =	simm.s32 @!p0 $0x1C03  }
0x97: {  	[timem:s3], [sflag:s2] =	dma.local @!p0 [hbm:s0], s1  }
0x98: {  	s0 =	simm.s32 @!p0 $0x3  }
0x99: {  	_ =	swait.ge @!p0 [sflag:s0], s1  }
0x9a: {  	s1 =	ssub.s32 @!p0 $0x0, s1;
	[sflag:s0] =	ssyncset.done @!p0 $0x0  }
0x9b: {  	[sflag:s0] =	ssyncadd.s32 @!p0 s1  }
0x9c: {  	[bflag:$0x3] =	sbarrier.arrive $0xFFFF  }
0x9d: {  	_ =	shalt  }

// kernel: kernel.14.cloned.1.call-start
scs
__scs_entry_jumppad:
0x0: {  	(pc) =	sbr.rel $0x88, $3  }
0x1: {  	(tag) =	ssettag $0x0;
	lr =	simm.s32 $0x1  }
0x2: {  	[smem:$0x3F9B] =	sst lr;
	_ =	strace $0xD0000000  }
0x3: {  	_ = 	snop  }
0x4: {  	_ = 	snop  }
0x5: {  	_ = 	snop  }
0x6: {  	_ = 	snop  }
0x7: {  	_ = 	snop  }
__scs_overlays_trampoline_lowered:
0x8: {  	[smem:$0x3FAA] =	sst s0  }
0x9: {  	[smem:$0x3FAB] =	sst s1  }
0xa: {  	[smem:$0x3FAC] =	sst s2  }
0xb: {  	[smem:$0x3FAD] =	sst s3  }
0xc: {  	[smem:$0x3FAE] =	sst s4  }
0xd: {  	[smem:$0x3FAF] =	sst s5  }
0xe: {  	[smem:$0x3FB0] =	sst s6  }
0xf: {  	[smem:$0x3FB1] =	sst s7  }
0x10: {  	[smem:$0x3FB2] =	sst s8  }
0x11: {  	[smem:$0x3FB3] =	sst s9;
	s0 =	simm.s32 @!p0 $0x0  }
0x12: {  	s1 =	sld [smem:$0x3F99];
	s0 =	simm.s32 @p0 $0x1  }
0x13: {  	[smem:$0x3FB4] =	sst s0;
	s0 =	simm.s32 @!p1 $0x0  }
0x14: {  	s2 =	sld [smem:$0x3F98];
	s0 =	simm.s32 @p1 $0x1  }
0x15: {  	[smem:$0x3FB5] =	sst s0;
	s0 =	simm.s32 @!p2 $0x0  }
0x16: {  	s3 =	sld [smem:$0x3FDB];
	s0 =	simm.s32 @p2 $0x1  }
0x17: {  	s4 =	simm.s32 $0x1BF5;
	[smem:$0x3FB7] =	sst s0  }
0x18: {  	s0 =	sld [smem:$0x3F9A];
	_ =	swait.ge [sflag:s4], $0x0  }
0x19: {  	s7 =	sld [smem:$0x3F9B]  }
0x1a: {  	s8 =	sadd.s32 $0xFFFFE003, lr  }
0x1b: {  	s9 =	sadd.s32 $0xFFFFFEF7, lr;
	s5 =	simm.s32 $0xFFFFFFFF;
	p2 =	slt.u32 s8, $0xFFFFF086  }
0x1c: {  	p1 =	slt.u32 s9, $0xF7A;
	s5 =	simm.s32 @!p2 $0x0  }
0x1d: {  	s5 =	simm.s32 @p1 $0x1;
	p0 =	seq.s32 s7, s2  }
0x1e: {  	s7 =	smul.u32 @!p0 $0xF7A, s2;
	p2 =	seq.s32 @!p0 s5, $0x0  }
0x1f: {  	s9 =	smul.u32 $0xF7A, s1;
	s8 =	simm.s32 @!p0 $0x1BF5;
	p2 =	por !p2, p0  }
0x20: {  	[sflag:s8] =	ssyncset.s32 @!p0 $0xFFFFF086;
	s6 =	sadd.s32 @!p0 s3, s7;
	s7 =	simm.s32 @!p0 $0x108  }
0x21: {  	s3 =	sadd.s32 s3, s9;
	s6 =	sadd.s32 @!p0 $0x88, s6;
	s7 =	simm.s32 @p2 $0x1082  }
0x22: {  	[simem:s7], [sflag:s8] =	dma.local @!p0 [hbm:s6], $0xF7A  }
0x23: {  	s9 =	sor.u32 $0xD0000000, s2;
	s6 =	simm.s32 $0x108;
	_ =	swait.ge @!p0 [sflag:s8], $0x0  }
0x24: {  	s3 =	sadd.s32 $0x88, s3;
	s6 =	simm.s32 @!p1 $0x1082;
	[sflag:s4] =	ssyncset.s32 $0xFFFFF086  }
0x25: {  	[simem:s6], [sflag:s4] =	dma.local [hbm:s3], $0xF7A  }
0x26: {  	[smem:$0x3F9B] =	sst s1;
	(tag) =	ssettag s2;
	_ =	strace s9  }
0x27: {  	s1 =	sld [smem:$0x3FAB]  }
0x28: {  	s2 =	sld [smem:$0x3FAC]  }
0x29: {  	s4 =	sld [smem:$0x3FAE]  }
0x2a: {  	p0 =	seq.s32 s5, $0x0;
	s5 =	sld [smem:$0x3FAF]  }
0x2b: {  	s6 =	sld [smem:$0x3FB0]  }
0x2c: {  	s7 =	sld [smem:$0x3FB1]  }
0x2d: {  	s3 =	simm.s32 $0x108;
	s8 =	sld [smem:$0x3FB2]  }
0x2e: {  	s3 =	simm.s32 @!p0 $0x1082;
	s9 =	sld [smem:$0x3FB3]  }
0x2f: {  	lr =	sadd.s32 s0, s3;
	s0 =	sld [smem:$0x3FAA]  }
0x30: {  	s3 =	sld [smem:$0x3FAD]  }
0x31: {  	[smem:$0x3FB6] =	sst s10  }
0x32: {  	s10 =	sld [smem:$0x3FB4];
	_ =	sdelay $0x3  }
0x33: {  	p0 =	seq.s32 s10, $0x1;
	s10 =	sld [smem:$0x3FB6];
	_ =	sdelay $0x3  }
0x34: {  	[smem:$0x3FB6] =	sst s10  }
0x35: {  	s10 =	sld [smem:$0x3FB5];
	_ =	sdelay $0x3  }
0x36: {  	p1 =	seq.s32 s10, $0x1;
	s10 =	sld [smem:$0x3FB6];
	_ =	sdelay $0x3  }
0x37: {  	[smem:$0x3FB6] =	sst s10  }
0x38: {  	s10 =	sld [smem:$0x3FB7]  }
0x39: {  	_ = 	snop;
	(pc) =	sbr.ind lr, $3  }
0x3a: {  	_ = 	snop  }
0x3b: {  	_ = 	snop  }
0x3c: {  	p2 =	seq.s32 s10, $0x1;
	s10 =	sld [smem:$0x3FB6]  }
0x3d: {  	_ =	shalt  }
0x3e: {  	_ =	shalt  }
0x3f: {  	_ =	shalt  }
0x40: {  	_ =	shalt  }
0x41: {  	_ =	shalt  }
0x42: {  	_ =	shalt  }
0x43: {  	_ =	shalt  }
0x44: {  	_ =	shalt  }
0x45: {  	_ =	shalt  }
0x46: {  	_ =	shalt  }
0x47: {  	_ =	shalt  }
0x48: {  	_ =	shalt  }
0x49: {  	_ =	shalt  }
0x4a: {  	_ =	shalt  }
0x4b: {  	_ =	shalt  }
0x4c: {  	_ =	shalt  }
0x4d: {  	_ =	shalt  }
0x4e: {  	_ =	shalt  }
0x4f: {  	_ =	shalt  }
0x50: {  	_ =	shalt  }
0x51: {  	_ =	shalt  }
0x52: {  	_ =	shalt  }
0x53: {  	_ =	shalt  }
0x54: {  	_ =	shalt  }
0x55: {  	_ =	shalt  }
0x56: {  	_ =	shalt  }
0x57: {  	_ =	shalt  }
0x58: {  	_ =	shalt  }
0x59: {  	_ =	shalt  }
0x5a: {  	_ =	shalt  }
0x5b: {  	_ =	shalt  }
0x5c: {  	_ =	shalt  }
0x5d: {  	_ =	shalt  }
0x5e: {  	_ =	shalt  }
0x5f: {  	_ =	shalt  }
0x60: {  	_ =	shalt  }
0x61: {  	_ =	shalt  }
0x62: {  	_ =	shalt  }
0x63: {  	_ =	shalt  }
0x64: {  	_ =	shalt  }
0x65: {  	_ =	shalt  }
0x66: {  	_ =	shalt  }
0x67: {  	_ =	shalt  }
0x68: {  	_ =	shalt  }
0x69: {  	_ =	shalt  }
0x6a: {  	_ =	shalt  }
0x6b: {  	_ =	shalt  }
0x6c: {  	_ =	shalt  }
0x6d: {  	_ =	shalt  }
0x6e: {  	_ =	shalt  }
0x6f: {  	_ =	shalt  }
0x70: {  	_ =	shalt  }
0x71: {  	_ =	shalt  }
0x72: {  	_ =	shalt  }
0x73: {  	_ =	shalt  }
0x74: {  	_ =	shalt  }
0x75: {  	_ =	shalt  }
0x76: {  	_ =	shalt  }
0x77: {  	_ =	shalt  }
0x78: {  	_ =	shalt  }
0x79: {  	_ =	shalt  }
0x7a: {  	_ =	shalt  }
0x7b: {  	_ =	shalt  }
0x7c: {  	_ =	shalt  }
0x7d: {  	_ =	shalt  }
0x7e: {  	_ =	shalt  }
0x7f: {  	_ =	shalt  }
0x80: {  	_ =	shalt  }
0x81: {  	_ =	shalt  }
0x82: {  	_ =	shalt  }
0x83: {  	_ =	shalt  }
0x84: {  	_ =	shalt  }
0x85: {  	_ =	shalt  }
0x86: {  	_ =	shalt  }
0x87: {  	_ =	shalt  }
.Lfunc_end0:
.L_simem_size_0:
called_computation.2_lowered:
.L_overlay_start_0:
0x88: {  	s2 =	sld [smem:$0x3FD9]  }
0x89: {  	s3 =	sld [smem:$0x3FFE];
	_ =	sdelay $0x1  }
0x8a: {  	s1 =	srdreg.scid  }
0x8b: {  	s0 =	sand.u32 $0x1, s1  }
0x8c: {  	s17 =	sshll.u32 s0, $0xA;
	s2 =	sadd.s32 s3, s2  }
0x8d: {  	s2 =	sadd.s32 s2, s17  }
0x8e: {  	[smem:$0x3FC2] =	sst s2  }
0x8f: {  	_ = 	snop  }
0x90: {  	s2 =	sld [smem:$0x3FD0];
	(tm) =	ssettm $0x1  }
0x91: {  	s18 =	sld [smem:$0x3FFB];
	_ =	sdelay $0x3  }
0x92: {  	_ =	strace s18  }
0x93: {  	s3 =	sld [smem:$0x3FFC];
	_ =	sdelay $0x3  }
0x94: {  	_ =	strace s3  }
0x95: {  	s3 =	sld [smem:$0x3FFD];
	_ =	sdelay $0x3  }
0x96: {  	_ =	strace s3  }
0x97: {  	_ =	strace $0x8FFFFFFF  }
0x98: {  	s19 =	sld [smem:$0x3FDB];
	_ =	sdelay $0x1  }
0x99: {  	s4 =	simm.s32 $_scs_section_size  }
0x9a: {  	s5 =	simm.s32 $_size__tile_overlayer_lowered;
	s6 =	simm.s32 $_tile_overlayer_lowered  }
0x9b: {  	s22 =	simm.s32 $0x1BFF;
	s21 =	sshll.u32 s6, $0x1;
	s3 =	sadd.s32 s4, s19  }
0x9c: {  	s7 =	simm.s32 $0x0;
	s20 =	sshll.u32 s5, $0x1;
	s5 =	sadd.s32 s21, s3  }
0x9d: {  	[timem:s7], [sflag:s22] =	dma.local [hbm:s5], s20  }
0x9e: {  	_ =	swait.ge [sflag:s22], s20  }
0x9f: {  	s4 =	ssub.s32 $0x0, s20;
	[sflag:s22] =	ssyncset.done $0x0  }
0xa0: {  	[sflag:s22] =	ssyncadd.s32 s4;
	_ =	sdelay $0x1  }
0xa1: {  	s23 =	simm.s32 $0x1B8B  }
0xa2: {  	_ =	swait.ge [sflag:s23], $0x1  }
0xa3: {  	[sflag:s23] =	ssyncset.done $0x0  }
0xa4: {  	s25 =	simm.s32 $0x1B8E;
	s24 =	sld [smem:$0x3FFE];
	[sflag:s23] =	ssyncadd.s32 $0xFFFFFFFF  }
0xa5: {  	s26 =	simm.s32 $execute0_lowered;
	[smem:$0x3FD2] =	sst s25  }
0xa6: {  	s5 =	sshll.u32 s26, $0x1;
	_ =	strace $0x8000004C;
	[dreg:$0x1] =	wrdreg $0xFFFFFFFF  }
0xa7: {  	s28 =	simm.s32 $_size_execute0_lowered;
	s3 =	sadd.s32 s3, s5;
	[dreg:$0x0] =	wrdreg $0x0  }
0xa8: {  	s5 =	sshll.u32 s28, $0x1;
	[dreg:$0x2] =	wrdreg s3  }
0xa9: {  	[dreg:$0x3] =	wrdreg s5  }
0xaa: {  	[dreg:$0x4] =	wrdreg $0xC0  }
0xab: {  	_ =	task [dreg:s7], $0x5FFFF  }
0xac: {  	[dreg:$0x1] =	wrdreg $0xFFFFFFFF  }
0xad: {  	[dreg:$0x0] =	wrdreg $0x60  }
0xae: {  	[dreg:$0x2] =	wrdreg s24  }
0xaf: {  	[dreg:$0x3] =	wrdreg s2  }
0xb0: {  	[dreg:$0x4] =	wrdreg $0xA8000  }
0xb1: {  	[dreg:$0x5] =	wrdreg $0x9  }
0xb2: {  	_ =	task.clear_ibuf [dreg:s7], $0x6FFFF;
	_ =	strace $0x9000004C  }
0xb3: {  	s29 =	simm.s32 $0x9;
	_ =	strace $0x8000004E  }
0xb4: {  	_ =	swait.ge [sflag:s29], $0x1  }
0xb5: {  	[sflag:s29] =	ssyncadd.s32 $0xFFFFFFFF  }
0xb6: {  	_ =	strace $0x9000004E  }
0xb7: {  	_ =	sfence  }
0xb8: {  	s30 =	sld [smem:$0x0];
	_ =	sdelay $0x2  }
0xb9: {  	s31 =	sshll.u32 s1, $0xD;
	s1 =	sshrl.u32 s1, $0x2  }
0xba: {  	s3 =	sand.u32 $0x4000, s31;
	s1 =	sadd.s32 s1, s30  }
0xbb: {  	s0 =	sor.u32 s3, s0;
	s1 =	sshll.u32 s1, $0x11  }
0xbc: {  	s0 =	sor.u32 s1, s0  }
0xbd: {  	s0 =	sadd.s32 $0x8F2B, s0  }
0xbe: {  	[sflag:s0] =	ssyncadd.remote.s32 $0x1  }
0xbf: {  	_ =	sfence.sel $0xFFFF  }
0xc0: {  	[dreg:$0x0] =	wrdreg $0xFFFFFFFF;
	(pc) =	sbr.abs _section_cstart, $3  }
0xc1: {  	[dreg:$0x1] =	wrdreg $0xFFFFFFFF  }
0xc2: {  	_ =	task.clear_ibuf [dreg:s7], $0x2FFFF;
	_ =	strace $0x9FFFFFFF  }
0xc3: {  	(tm) =	ssettm $0x7FFFFFFF  }
tec
execute0_lowered:
.L_overlay_start_1:
0x0: {  	(tag) =	ssettag $0x1  }
0x1: {  	s6 =	rddreg [dreg:$0x0]  }
0x2: {  	s1 =	rddreg [dreg:$0x1]  }
0x3: {  	s2 =	rddreg [dreg:$0x2];
	s3 =	simm.s32 $0x0;
	s4 =	srdreg.scid  }
0x4: {  	s13 =	simm.s32 $0x80;
	s14 =	simm.s32 $0x100;
	s15 =	simm.s32 $0x1400  }
0x5: {  	s16 =	simm.s32 $0x40;
	s17 =	simm.s32 $0x2800;
	s18 =	simm.s32 $0x4800  }
0x6: {  	s19 =	simm.s32 $0x6800;
	s20 =	simm.s32 $0xC0;
	s21 =	simm.s32 $0x8800  }
0x7: {  	s22 =	simm.s32 $0x1;
	s23 =	simm.s32 $0x2;
	s28 =	simm.s32 $0x2780  }
0x8: {  	s29 =	simm.s32 $0x27C0;
	[smem:$0x7FF] =	sst s3;
	s7 =	sand.u32 $0x1, s4  }
0x9: {  	s4 =	stileid.u32;
	s5 =	sadd.s32 $0x3400, s6;
	s8 =	smul.u32 $0x27800, s7  }
0xa: {  	_ =	strace $0x8000004D;
	s9 =	smul.u32 $0x4F000, s4;
	s26 =	ssub.s32 $0x2, s7  }
0xb: {  	s31 =	sshll.u32 s4, $0x6;
	s25 =	smul.u32 $0x2780, s4;
	s7 =	sshrl.u32 s26, $0x1  }
0xc: {  	s10 =	sadd.s32 s8, s6;
	s30 =	sshrl.u32 s9, $0x2;
	s11 =	ssub.s32 s26, s7  }
0xd: {  	s6 =	sor.u32 $0x1C03, s31;
	s7 =	smul.u32 $0xA0, s4;
	s8 =	sadd.s32 $0x10, s1  }
0xe: {  	s26 =	simm.s32 $0x2740;
	s12 =	sadd.s32 s30, s2;
	s9 =	sadd.s32 $0x54C00, s10  }
0xf: {  	s24 =	sadd.s32 $0xA3C00, s10;
	s10 =	smax.u32 s11, $0x1;
	s11 =	sshrl.u32 s12, $0x3  }
0x10: {  	s12 =	simm.s32 $0x3;
	s24 =	sadd.s32 s25, s24;
	s25 =	simm.s32 $0x2700  }
.LBB2_1:
0x11: {  	[spmem:s11], [sflag:s6] =	dma.local [hbm:s5], $0x2780  }
0x12: {  	_ =	swait.ge [sflag:s12], $0x2780  }
0x13: {  	[sflag:s12] =	ssyncset.done $0x0  }
0x14: {  	[sflag:s12] =	ssyncadd.s32 $0xFFFFD880  }
0x15: {  	p1 =	por $0x1, $0x1;
	s30 =	simm.s32 $0x0;
	[bflag:$0x0] =	sbarrier.arrive $0xFFFF  }
.LBB2_2:
0x16: {  	s30 =	sadd.s32 s7, s30  }
0x17: {  	s30 =	sshll.u32 s30, $0x4  }
0x18: {  	s0 =	simm.s32 $0x0;
	s31 =	sadd.s32 s1, s30  }
0x19: {  	[tilespmem:s0], [sflag:$0x3] =	stream.strided.gather [hbm4b:s31+s13], $0x1400, s14, s13, $0x38;
	[tilespmem:$0x1E400] =	vst v63  }
0x1a: {  	_ =	swait.ge [sflag:s12], $0x1400  }
0x1b: {  	[sflag:s12] =	ssyncset.done $0x0  }
0x1c: {  	s30 =	sadd.s32 s30, s8;
	[sflag:s12] =	ssyncadd.s32 $0xFFFFEC00  }
0x1d: {  	[tilespmem:s15], [sflag:$0x3] =	stream.strided.gather [hbm4b:s30+s13], $0x1400, s14, s13, $0x38;
	[tilespmem:$0x1E400] =	vst v63  }
0x1e: {  	_ =	swait.ge [sflag:s12], $0x1400  }
0x1f: {  	[sflag:s12] =	ssyncset.done $0x0  }
0x20: {  	[sflag:s12] =	ssyncadd.s32 $0xFFFFEC00  }
0x21: {  	[tilespmem:s17], [sflag:$0x1] =	stream.indirect.gather [hbm4b:s9+s16], $0x80, s0, s16, $0xb8;
	[tilespmem:$0x1E400] =	vst v63  }
0x22: {  	_ = 	snop  }
0x23: {  	[tilespmem:s18], [sflag:$0x1] =	stream.indirect.gather [hbm4b:s9+s16], $0x80, s16, s16, $0xb8;
	[tilespmem:$0x1E400] =	vst v63  }
0x24: {  	_ = 	snop  }
0x25: {  	[tilespmem:s19], [sflag:$0x1] =	stream.indirect.gather [hbm4b:s9+s16], $0x80, s13, s16, $0xb8;
	[tilespmem:$0x1E400] =	vst v63  }
0x26: {  	_ = 	snop  }
0x27: {  	[tilespmem:s21], [sflag:$0x1] =	stream.indirect.gather [hbm4b:s9+s16], $0x80, s20, s16, $0xb8;
	[tilespmem:$0x1E400] =	vst v63  }
0x28: {  	_ =	swait.ge [sflag:s22], $0x2000  }
0x29: {  	[sflag:s22] =	ssyncset.done $0x0  }
0x2a: {  	s0 =	simm.s32 $0x1400;
	[sflag:s22] =	ssyncadd.s32 $0xFFFFE000  }
0x2b: {  	[spmem:s2] =	stream.indirect.scatter.add.f32 [tilespmem:s17], [sflag:$0x2], $0x80, s0, s16, $0xb8;
	[tilespmem:$0x1E400] =	vst v63  }
0x2c: {  	_ =	swait.ge [sflag:s23], $0x2000  }
0x2d: {  	[sflag:s23] =	ssyncset.done $0x0  }
0x2e: {  	s0 =	simm.s32 $0x100;
	[sflag:s23] =	ssyncadd.s32 $0xFFFFE000  }
0x2f: {  	[tilespmem:s17], [sflag:$0x1] =	stream.indirect.gather [hbm4b:s9+s16], $0x80, s0, s16, $0xb8;
	[tilespmem:$0x1E400] =	vst v63  }
0x30: {  	_ =	swait.ge [sflag:s22], $0x2000  }
0x31: {  	[sflag:s22] =	ssyncset.done $0x0  }
0x32: {  	s0 =	simm.s32 $0x1440;
	[sflag:s22] =	ssyncadd.s32 $0xFFFFE000  }
0x33: {  	[spmem:s2] =	stream.indirect.scatter.add.f32 [tilespmem:s18], [sflag:$0x2], $0x80, s0, s16, $0xb8;
	[tilespmem:$0x1E400] =	vst v63  }
0x34: {  	_ =	swait.ge [sflag:s23], $0x2000  }
0x35: {  	[sflag:s23] =	ssyncset.done $0x0  }
0x36: {  	s0 =	simm.s32 $0x140;
	[sflag:s23] =	ssyncadd.s32 $0xFFFFE000  }
0x37: {  	[tilespmem:s18], [sflag:$0x1] =	stream.indirect.gather [hbm4b:s9+s16], $0x80, s0, s16, $0xb8;
	[tilespmem:$0x1E400] =	vst v63  }
0x38: {  	_ =	swait.ge [sflag:s22], $0x2000  }
0x39: {  	[sflag:s22] =	ssyncset.done $0x0  }
0x3a: {  	s0 =	simm.s32 $0x1480;
	[sflag:s22] =	ssyncadd.s32 $0xFFFFE000  }
0x3b: {  	[spmem:s2] =	stream.indirect.scatter.add.f32 [tilespmem:s19], [sflag:$0x2], $0x80, s0, s16, $0xb8;
	[tilespmem:$0x1E400] =	vst v63  }
0x3c: {  	_ =	swait.ge [sflag:s23], $0x2000  }
0x3d: {  	[sflag:s23] =	ssyncset.done $0x0  }
0x3e: {  	s0 =	simm.s32 $0x180;
	[sflag:s23] =	ssyncadd.s32 $0xFFFFE000  }
0x3f: {  	[tilespmem:s19], [sflag:$0x1] =	stream.indirect.gather [hbm4b:s9+s16], $0x80, s0, s16, $0xb8;
	[tilespmem:$0x1E400] =	vst v63  }
0x40: {  	_ =	swait.ge [sflag:s22], $0x2000  }
0x41: {  	[sflag:s22] =	ssyncset.done $0x0  }
0x42: {  	s0 =	simm.s32 $0x14C0;
	[sflag:s22] =	ssyncadd.s32 $0xFFFFE000  }
0x43: {  	[spmem:s2] =	stream.indirect.scatter.add.f32 [tilespmem:s21], [sflag:$0x2], $0x80, s0, s16, $0xb8;
	[tilespmem:$0x1E400] =	vst v63  }
0x44: {  	_ =	swait.ge [sflag:s23], $0x2000  }
0x45: {  	p0 =	por p1, p1;
	[sflag:s23] =	ssyncset.done $0x0  }
0x46: {  	s31 =	simm.s32 $0x1C0;
	s30 =	simm.s32 $0x400;
	[sflag:s23] =	ssyncadd.s32 $0xFFFFE000  }
.LBB2_3:
0x47: {  	[tilespmem:s21], [sflag:$0x1] =	stream.indirect.gather [hbm4b:s9+s16], $0x80, s31, s16, $0xb8;
	[tilespmem:$0x1E400] =	vst v63  }
0x48: {  	s0 =	smov.u32 s30  }
0x49: {  	p1 =	sne.s32 s30, $0x4800;
	s30 =	sadd.s32 $0x400, s30;
	_ =	swait.ge [sflag:s22], $0x2000  }
0x4a: {  	s31 =	sshra.s32 s0, $0x2;
	[sflag:s22] =	ssyncset.done $0x0  }
0x4b: {  	s0 =	sadd.s32 $0x1400, s31;
	[sflag:s22] =	ssyncadd.s32 $0xFFFFE000  }
0x4c: {  	[spmem:s2] =	stream.indirect.scatter.add.f32 [tilespmem:s17], [sflag:$0x2], $0x80, s0, s16, $0xb8;
	[tilespmem:$0x1E400] =	vst v63  }
0x4d: {  	_ =	swait.ge [sflag:s23], $0x2000  }
0x4e: {  	[sflag:s23] =	ssyncset.done $0x0  }
0x4f: {  	s0 =	sadd.s32 $0x100, s31;
	[sflag:s23] =	ssyncadd.s32 $0xFFFFE000  }
0x50: {  	[tilespmem:s17], [sflag:$0x1] =	stream.indirect.gather [hbm4b:s9+s16], $0x80, s0, s16, $0xb8;
	[tilespmem:$0x1E400] =	vst v63  }
0x51: {  	_ =	swait.ge [sflag:s22], $0x2000  }
0x52: {  	[sflag:s22] =	ssyncset.done $0x0  }
0x53: {  	s0 =	sadd.s32 $0x1440, s31;
	[sflag:s22] =	ssyncadd.s32 $0xFFFFE000  }
0x54: {  	[spmem:s2] =	stream.indirect.scatter.add.f32 [tilespmem:s18], [sflag:$0x2], $0x80, s0, s16, $0xb8;
	[tilespmem:$0x1E400] =	vst v63  }
0x55: {  	_ =	swait.ge [sflag:s23], $0x2000  }
0x56: {  	[sflag:s23] =	ssyncset.done $0x0  }
0x57: {  	s0 =	sadd.s32 $0x140, s31;
	[sflag:s23] =	ssyncadd.s32 $0xFFFFE000  }
0x58: {  	[tilespmem:s18], [sflag:$0x1] =	stream.indirect.gather [hbm4b:s9+s16], $0x80, s0, s16, $0xb8;
	[tilespmem:$0x1E400] =	vst v63  }
0x59: {  	_ =	swait.ge [sflag:s22], $0x2000  }
0x5a: {  	[sflag:s22] =	ssyncset.done $0x0  }
0x5b: {  	s0 =	sadd.s32 $0x1480, s31;
	[sflag:s22] =	ssyncadd.s32 $0xFFFFE000  }
0x5c: {  	[spmem:s2] =	stream.indirect.scatter.add.f32 [tilespmem:s19], [sflag:$0x2], $0x80, s0, s16, $0xb8;
	[tilespmem:$0x1E400] =	vst v63  }
0x5d: {  	_ =	swait.ge [sflag:s23], $0x2000  }
0x5e: {  	[sflag:s23] =	ssyncset.done $0x0  }
0x5f: {  	s0 =	sadd.s32 $0x180, s31;
	[sflag:s23] =	ssyncadd.s32 $0xFFFFE000  }
0x60: {  	[tilespmem:s19], [sflag:$0x1] =	stream.indirect.gather [hbm4b:s9+s16], $0x80, s0, s16, $0xb8;
	[tilespmem:$0x1E400] =	vst v63  }
0x61: {  	_ =	swait.ge [sflag:s22], $0x2000  }
0x62: {  	[sflag:s22] =	ssyncset.done $0x0  }
.Ltmp0:
0x63: {  	s0 =	sadd.s32 $0x14C0, s31;
	[sflag:s22] =	ssyncadd.s32 $0xFFFFE000;
	(pc) =	sbr.rel @p1 .LBB2_3-.Ltmp0, $4  }
0x64: {  	[spmem:s2] =	stream.indirect.scatter.add.f32 [tilespmem:s21], [sflag:$0x2], $0x80, s0, s16, $0xb8;
	[tilespmem:$0x1E400] =	vst v63  }
0x65: {  	_ =	swait.ge [sflag:s23], $0x2000  }
0x66: {  	[sflag:s23] =	ssyncset.done $0x0  }
0x67: {  	s31 =	sadd.s32 $0x1C0, s31;
	[sflag:s23] =	ssyncadd.s32 $0xFFFFE000  }
0x68: {  	[tilespmem:s21], [sflag:$0x1] =	stream.indirect.gather [hbm4b:s9+s16], $0x80, s31, s16, $0xb8;
	[tilespmem:$0x1E400] =	vst v63  }
0x69: {  	_ =	swait.ge [sflag:s22], $0x2000  }
0x6a: {  	[sflag:s22] =	ssyncset.done $0x0  }
0x6b: {  	[sflag:s22] =	ssyncadd.s32 $0xFFFFE000  }
0x6c: {  	[spmem:s2] =	stream.indirect.scatter.add.f32 [tilespmem:s17], [sflag:$0x2], $0x80, s25, s16, $0xb8;
	[tilespmem:$0x1E400] =	vst v63  }
0x6d: {  	_ =	swait.ge [sflag:s23], $0x2000  }
0x6e: {  	[sflag:s23] =	ssyncset.done $0x0  }
0x6f: {  	[sflag:s23] =	ssyncadd.s32 $0xFFFFE000  }
0x70: {  	_ =	swait.ge [sflag:s22], $0x2000  }
0x71: {  	[sflag:s22] =	ssyncset.done $0x0  }
0x72: {  	[sflag:s22] =	ssyncadd.s32 $0xFFFFE000  }
0x73: {  	[spmem:s2] =	stream.indirect.scatter.add.f32 [tilespmem:s18], [sflag:$0x2], $0x80, s26, s16, $0xb8;
	[tilespmem:$0x1E400] =	vst v63  }
0x74: {  	_ =	swait.ge [sflag:s23], $0x2000  }
0x75: {  	[sflag:s23] =	ssyncset.done $0x0  }
0x76: {  	[sflag:s23] =	ssyncadd.s32 $0xFFFFE000  }
0x77: {  	_ =	swait.ge [sflag:s22], $0x2000  }
0x78: {  	[sflag:s22] =	ssyncset.done $0x0  }
0x79: {  	[sflag:s22] =	ssyncadd.s32 $0xFFFFE000  }
0x7a: {  	[spmem:s2] =	stream.indirect.scatter.add.f32 [tilespmem:s19], [sflag:$0x2], $0x80, s28, s16, $0xb8;
	[tilespmem:$0x1E400] =	vst v63  }
0x7b: {  	_ =	swait.ge [sflag:s23], $0x2000  }
0x7c: {  	[sflag:s23] =	ssyncset.done $0x0  }
0x7d: {  	[sflag:s23] =	ssyncadd.s32 $0xFFFFE000  }
0x7e: {  	_ =	swait.ge [sflag:s22], $0x2000  }
0x7f: {  	[sflag:s22] =	ssyncset.done $0x0  }
.Ltmp1:
0x80: {  	[sflag:s22] =	ssyncadd.s32 $0xFFFFE000;
	(pc) =	sbr.rel @p0 .LBB2_2-.Ltmp1, $4  }
0x81: {  	[spmem:s2] =	stream.indirect.scatter.add.f32 [tilespmem:s21], [sflag:$0x2], $0x80, s29, s16, $0xb8;
	[tilespmem:$0x1E400] =	vst v63  }
0x82: {  	_ =	swait.ge [sflag:s23], $0x2000  }
0x83: {  	[sflag:s23] =	ssyncset.done $0x0  }
0x84: {  	s30 =	simm.s32 $0x50;
	p1 =	por $0x0, $0x0;
	[sflag:s23] =	ssyncadd.s32 $0xFFFFE000  }
0x85: {  	s3 =	sadd.s32 $0x1, s3  }
0x86: {  	p0 =	sne.s32 s3, s10  }
.Ltmp2:
0x87: {  	[bflag:$0x0] =	sbarrier.arrive $0xFFFF;
	(pc) =	sbr.rel @p0 .LBB2_1-.Ltmp2, $4  }
0x88: {  	[hbm:s24], [sflag:s6] =	dma.local [spmem:s11], $0x2780  }
0x89: {  	_ =	swait.ge [sflag:s12], $0x2780  }
0x8a: {  	[sflag:s12] =	ssyncset.done $0x0  }
0x8b: {  	[sflag:s12] =	ssyncadd.s32 $0xFFFFD880  }
0x8c: {  	_ =	sfence.sel $0x180000  }
0x8d: {  	[bflag:$0x0] =	sbarrier.arrive $0xFFFF  }
0x8e: {  	_ =	strace $0x9000004D  }
0x8f: {  	[bflag:$0x2] =	sbarrier.arrive $0xFFFF  }
0x90: {  	p0 =	sne.s32 s4, $0x0;
	s0 =	rddreg [dreg:$0x3]  }
0x91: {  	s0 =	sadd.s32 @!p0 $0x100000, s0  }
0x92: {  	[sflag:s0] =	ssyncadd.tile.s32 @!p0 $0x1;
	_ =	shalt  }
.Lfunc_end2:
_tile_overlayer_lowered:
.L_overlay_start_2:
0x93: {  	(tag) =	ssettag $0x2  }
0x94: {  	s0 =	rddreg [dreg:$0x0];
	s2 =	stileid.u32  }
0x95: {  	s1 =	rddreg [dreg:$0x1];
	p0 =	sne.s32 s2, $0x0  }
0x96: {  	s3 =	rddreg [dreg:$0x2];
	[bflag:$0x3] =	sbarrier.arrive $0xFFFF;
	s2 =	simm.s32 @!p0 $0x1C03  }
0x97: {  	[timem:s3], [sflag:s2] =	dma.local @!p0 [hbm:s0], s1  }
0x98: {  	s0 =	simm.s32 @!p0 $0x3  }
0x99: {  	_ =	swait.ge @!p0 [sflag:s0], s1  }
0x9a: {  	s1 =	ssub.s32 @!p0 $0x0, s1;
	[sflag:s0] =	ssyncset.done @!p0 $0x0  }
0x9b: {  	[sflag:s0] =	ssyncadd.s32 @!p0 s1  }
0x9c: {  	[bflag:$0x3] =	sbarrier.arrive $0xFFFF  }
0x9d: {  	_ =	shalt  }

// kernel: kernel.8.cloned.1.call-start
scs
__scs_entry_jumppad:
0x0: {  	(pc) =	sbr.rel $0x88, $3  }
0x1: {  	(tag) =	ssettag $0x0;
	lr =	simm.s32 $0x1  }
0x2: {  	[smem:$0x3F9B] =	sst lr;
	_ =	strace $0xD0000000  }
0x3: {  	_ = 	snop  }
0x4: {  	_ = 	snop  }
0x5: {  	_ = 	snop  }
0x6: {  	_ = 	snop  }
0x7: {  	_ = 	snop  }
__scs_overlays_trampoline_lowered:
0x8: {  	[smem:$0x3FAA] =	sst s0  }
0x9: {  	[smem:$0x3FAB] =	sst s1  }
0xa: {  	[smem:$0x3FAC] =	sst s2  }
0xb: {  	[smem:$0x3FAD] =	sst s3  }
0xc: {  	[smem:$0x3FAE] =	sst s4  }
0xd: {  	[smem:$0x3FAF] =	sst s5  }
0xe: {  	[smem:$0x3FB0] =	sst s6  }
0xf: {  	[smem:$0x3FB1] =	sst s7  }
0x10: {  	[smem:$0x3FB2] =	sst s8  }
0x11: {  	[smem:$0x3FB3] =	sst s9;
	s0 =	simm.s32 @!p0 $0x0  }
0x12: {  	s1 =	sld [smem:$0x3F99];
	s0 =	simm.s32 @p0 $0x1  }
0x13: {  	[smem:$0x3FB4] =	sst s0;
	s0 =	simm.s32 @!p1 $0x0  }
0x14: {  	s2 =	sld [smem:$0x3F98];
	s0 =	simm.s32 @p1 $0x1  }
0x15: {  	[smem:$0x3FB5] =	sst s0;
	s0 =	simm.s32 @!p2 $0x0  }
0x16: {  	s3 =	sld [smem:$0x3FDB];
	s0 =	simm.s32 @p2 $0x1  }
0x17: {  	s4 =	simm.s32 $0x1BF5;
	[smem:$0x3FB7] =	sst s0  }
0x18: {  	s0 =	sld [smem:$0x3F9A];
	_ =	swait.ge [sflag:s4], $0x0  }
0x19: {  	s7 =	sld [smem:$0x3F9B]  }
0x1a: {  	s8 =	sadd.s32 $0xFFFFE003, lr  }
0x1b: {  	s9 =	sadd.s32 $0xFFFFFEF7, lr;
	s5 =	simm.s32 $0xFFFFFFFF;
	p2 =	slt.u32 s8, $0xFFFFF086  }
0x1c: {  	p1 =	slt.u32 s9, $0xF7A;
	s5 =	simm.s32 @!p2 $0x0  }
0x1d: {  	s5 =	simm.s32 @p1 $0x1;
	p0 =	seq.s32 s7, s2  }
0x1e: {  	s7 =	smul.u32 @!p0 $0xF7A, s2;
	p2 =	seq.s32 @!p0 s5, $0x0  }
0x1f: {  	s9 =	smul.u32 $0xF7A, s1;
	s8 =	simm.s32 @!p0 $0x1BF5;
	p2 =	por !p2, p0  }
0x20: {  	[sflag:s8] =	ssyncset.s32 @!p0 $0xFFFFF086;
	s6 =	sadd.s32 @!p0 s3, s7;
	s7 =	simm.s32 @!p0 $0x108  }
0x21: {  	s3 =	sadd.s32 s3, s9;
	s6 =	sadd.s32 @!p0 $0x88, s6;
	s7 =	simm.s32 @p2 $0x1082  }
0x22: {  	[simem:s7], [sflag:s8] =	dma.local @!p0 [hbm:s6], $0xF7A  }
0x23: {  	s9 =	sor.u32 $0xD0000000, s2;
	s6 =	simm.s32 $0x108;
	_ =	swait.ge @!p0 [sflag:s8], $0x0  }
0x24: {  	s3 =	sadd.s32 $0x88, s3;
	s6 =	simm.s32 @!p1 $0x1082;
	[sflag:s4] =	ssyncset.s32 $0xFFFFF086  }
0x25: {  	[simem:s6], [sflag:s4] =	dma.local [hbm:s3], $0xF7A  }
0x26: {  	[smem:$0x3F9B] =	sst s1;
	(tag) =	ssettag s2;
	_ =	strace s9  }
0x27: {  	s1 =	sld [smem:$0x3FAB]  }
0x28: {  	s2 =	sld [smem:$0x3FAC]  }
0x29: {  	s4 =	sld [smem:$0x3FAE]  }
0x2a: {  	p0 =	seq.s32 s5, $0x0;
	s5 =	sld [smem:$0x3FAF]  }
0x2b: {  	s6 =	sld [smem:$0x3FB0]  }
0x2c: {  	s7 =	sld [smem:$0x3FB1]  }
0x2d: {  	s3 =	simm.s32 $0x108;
	s8 =	sld [smem:$0x3FB2]  }
0x2e: {  	s3 =	simm.s32 @!p0 $0x1082;
	s9 =	sld [smem:$0x3FB3]  }
0x2f: {  	lr =	sadd.s32 s0, s3;
	s0 =	sld [smem:$0x3FAA]  }
0x30: {  	s3 =	sld [smem:$0x3FAD]  }
0x31: {  	[smem:$0x3FB6] =	sst s10  }
0x32: {  	s10 =	sld [smem:$0x3FB4];
	_ =	sdelay $0x3  }
0x33: {  	p0 =	seq.s32 s10, $0x1;
	s10 =	sld [smem:$0x3FB6];
	_ =	sdelay $0x3  }
0x34: {  	[smem:$0x3FB6] =	sst s10  }
0x35: {  	s10 =	sld [smem:$0x3FB5];
	_ =	sdelay $0x3  }
0x36: {  	p1 =	seq.s32 s10, $0x1;
	s10 =	sld [smem:$0x3FB6];
	_ =	sdelay $0x3  }
0x37: {  	[smem:$0x3FB6] =	sst s10  }
0x38: {  	s10 =	sld [smem:$0x3FB7]  }
0x39: {  	_ = 	snop;
	(pc) =	sbr.ind lr, $3  }
0x3a: {  	_ = 	snop  }
0x3b: {  	_ = 	snop  }
0x3c: {  	p2 =	seq.s32 s10, $0x1;
	s10 =	sld [smem:$0x3FB6]  }
0x3d: {  	_ =	shalt  }
0x3e: {  	_ =	shalt  }
0x3f: {  	_ =	shalt  }
0x40: {  	_ =	shalt  }
0x41: {  	_ =	shalt  }
0x42: {  	_ =	shalt  }
0x43: {  	_ =	shalt  }
0x44: {  	_ =	shalt  }
0x45: {  	_ =	shalt  }
0x46: {  	_ =	shalt  }
0x47: {  	_ =	shalt  }
0x48: {  	_ =	shalt  }
0x49: {  	_ =	shalt  }
0x4a: {  	_ =	shalt  }
0x4b: {  	_ =	shalt  }
0x4c: {  	_ =	shalt  }
0x4d: {  	_ =	shalt  }
0x4e: {  	_ =	shalt  }
0x4f: {  	_ =	shalt  }
0x50: {  	_ =	shalt  }
0x51: {  	_ =	shalt  }
0x52: {  	_ =	shalt  }
0x53: {  	_ =	shalt  }
0x54: {  	_ =	shalt  }
0x55: {  	_ =	shalt  }
0x56: {  	_ =	shalt  }
0x57: {  	_ =	shalt  }
0x58: {  	_ =	shalt  }
0x59: {  	_ =	shalt  }
0x5a: {  	_ =	shalt  }
0x5b: {  	_ =	shalt  }
0x5c: {  	_ =	shalt  }
0x5d: {  	_ =	shalt  }
0x5e: {  	_ =	shalt  }
0x5f: {  	_ =	shalt  }
0x60: {  	_ =	shalt  }
0x61: {  	_ =	shalt  }
0x62: {  	_ =	shalt  }
0x63: {  	_ =	shalt  }
0x64: {  	_ =	shalt  }
0x65: {  	_ =	shalt  }
0x66: {  	_ =	shalt  }
0x67: {  	_ =	shalt  }
0x68: {  	_ =	shalt  }
0x69: {  	_ =	shalt  }
0x6a: {  	_ =	shalt  }
0x6b: {  	_ =	shalt  }
0x6c: {  	_ =	shalt  }
0x6d: {  	_ =	shalt  }
0x6e: {  	_ =	shalt  }
0x6f: {  	_ =	shalt  }
0x70: {  	_ =	shalt  }
0x71: {  	_ =	shalt  }
0x72: {  	_ =	shalt  }
0x73: {  	_ =	shalt  }
0x74: {  	_ =	shalt  }
0x75: {  	_ =	shalt  }
0x76: {  	_ =	shalt  }
0x77: {  	_ =	shalt  }
0x78: {  	_ =	shalt  }
0x79: {  	_ =	shalt  }
0x7a: {  	_ =	shalt  }
0x7b: {  	_ =	shalt  }
0x7c: {  	_ =	shalt  }
0x7d: {  	_ =	shalt  }
0x7e: {  	_ =	shalt  }
0x7f: {  	_ =	shalt  }
0x80: {  	_ =	shalt  }
0x81: {  	_ =	shalt  }
0x82: {  	_ =	shalt  }
0x83: {  	_ =	shalt  }
0x84: {  	_ =	shalt  }
0x85: {  	_ =	shalt  }
0x86: {  	_ =	shalt  }
0x87: {  	_ =	shalt  }
.Lfunc_end0:
.L_simem_size_0:
called_computation_lowered:
.L_overlay_start_0:
0x88: {  	s2 =	sld [smem:$0x3FD9]  }
0x89: {  	s3 =	sld [smem:$0x3FFE];
	_ =	sdelay $0x1  }
0x8a: {  	s1 =	srdreg.scid  }
0x8b: {  	s0 =	sand.u32 $0x1, s1  }
0x8c: {  	s17 =	sshll.u32 s0, $0xA;
	s2 =	sadd.s32 s3, s2  }
0x8d: {  	s2 =	sadd.s32 s2, s17  }
0x8e: {  	[smem:$0x3FC2] =	sst s2  }
0x8f: {  	_ = 	snop  }
0x90: {  	s2 =	sld [smem:$0x3FD0];
	(tm) =	ssettm $0x1  }
0x91: {  	s18 =	sld [smem:$0x3FFB];
	_ =	sdelay $0x3  }
0x92: {  	_ =	strace s18  }
0x93: {  	s3 =	sld [smem:$0x3FFC];
	_ =	sdelay $0x3  }
0x94: {  	_ =	strace s3  }
0x95: {  	s3 =	sld [smem:$0x3FFD];
	_ =	sdelay $0x3  }
0x96: {  	_ =	strace s3  }
0x97: {  	_ =	strace $0x8FFFFFFF  }
0x98: {  	s19 =	sld [smem:$0x3FDB];
	_ =	sdelay $0x1  }
0x99: {  	s4 =	simm.s32 $_scs_section_size  }
0x9a: {  	s5 =	simm.s32 $_size__tile_overlayer_lowered;
	s6 =	simm.s32 $_tile_overlayer_lowered  }
0x9b: {  	s22 =	simm.s32 $0x1BFF;
	s21 =	sshll.u32 s6, $0x1;
	s3 =	sadd.s32 s4, s19  }
0x9c: {  	s7 =	simm.s32 $0x0;
	s20 =	sshll.u32 s5, $0x1;
	s5 =	sadd.s32 s21, s3  }
0x9d: {  	[timem:s7], [sflag:s22] =	dma.local [hbm:s5], s20  }
0x9e: {  	_ =	swait.ge [sflag:s22], s20  }
0x9f: {  	s4 =	ssub.s32 $0x0, s20;
	[sflag:s22] =	ssyncset.done $0x0  }
0xa0: {  	[sflag:s22] =	ssyncadd.s32 s4;
	_ =	sdelay $0x1  }
0xa1: {  	s23 =	simm.s32 $0x1B8B  }
0xa2: {  	_ =	swait.ge [sflag:s23], $0x1  }
0xa3: {  	[sflag:s23] =	ssyncset.done $0x0  }
0xa4: {  	s25 =	simm.s32 $0x1B8E;
	s24 =	sld [smem:$0x3FFE];
	[sflag:s23] =	ssyncadd.s32 $0xFFFFFFFF  }
0xa5: {  	s26 =	simm.s32 $execute0_lowered;
	[smem:$0x3FD2] =	sst s25  }
0xa6: {  	s5 =	sshll.u32 s26, $0x1;
	_ =	strace $0x80000046;
	[dreg:$0x1] =	wrdreg $0xFFFFFFFF  }
0xa7: {  	s28 =	simm.s32 $_size_execute0_lowered;
	s3 =	sadd.s32 s3, s5;
	[dreg:$0x0] =	wrdreg $0x0  }
0xa8: {  	s5 =	sshll.u32 s28, $0x1;
	[dreg:$0x2] =	wrdreg s3  }
0xa9: {  	[dreg:$0x3] =	wrdreg s5  }
0xaa: {  	[dreg:$0x4] =	wrdreg $0xC0  }
0xab: {  	_ =	task [dreg:s7], $0x5FFFF  }
0xac: {  	[dreg:$0x1] =	wrdreg $0xFFFFFFFF  }
0xad: {  	[dreg:$0x0] =	wrdreg $0x60  }
0xae: {  	[dreg:$0x2] =	wrdreg s2  }
0xaf: {  	[dreg:$0x3] =	wrdreg s24  }
0xb0: {  	[dreg:$0x4] =	wrdreg $0x68000  }
0xb1: {  	[dreg:$0x5] =	wrdreg $0x9  }
0xb2: {  	_ =	task.clear_ibuf [dreg:s7], $0x6FFFF;
	_ =	strace $0x90000046  }
0xb3: {  	s29 =	simm.s32 $0x9;
	_ =	strace $0x80000048  }
0xb4: {  	_ =	swait.ge [sflag:s29], $0x1  }
0xb5: {  	[sflag:s29] =	ssyncadd.s32 $0xFFFFFFFF  }
0xb6: {  	_ =	strace $0x90000048  }
0xb7: {  	_ =	sfence  }
0xb8: {  	s30 =	sld [smem:$0x0];
	_ =	sdelay $0x2  }
0xb9: {  	s31 =	sshll.u32 s1, $0xD;
	s1 =	sshrl.u32 s1, $0x2  }
0xba: {  	s3 =	sand.u32 $0x4000, s31;
	s1 =	sadd.s32 s1, s30  }
0xbb: {  	s0 =	sor.u32 s3, s0;
	s1 =	sshll.u32 s1, $0x11  }
0xbc: {  	s0 =	sor.u32 s1, s0  }
0xbd: {  	s0 =	sadd.s32 $0x8F2B, s0  }
0xbe: {  	[sflag:s0] =	ssyncadd.remote.s32 $0x1  }
0xbf: {  	_ =	sfence.sel $0xFFFF  }
0xc0: {  	[dreg:$0x0] =	wrdreg $0xFFFFFFFF;
	(pc) =	sbr.abs _section_cstart, $3  }
0xc1: {  	[dreg:$0x1] =	wrdreg $0xFFFFFFFF  }
0xc2: {  	_ =	task.clear_ibuf [dreg:s7], $0x2FFFF;
	_ =	strace $0x9FFFFFFF  }
0xc3: {  	(tm) =	ssettm $0x7FFFFFFF  }
tec
execute0_lowered:
.L_overlay_start_1:
0x0: {  	(tag) =	ssettag $0x1  }
0x1: {  	s7 =	rddreg [dreg:$0x0]  }
0x2: {  	s8 =	rddreg [dreg:$0x1]  }
0x3: {  	s1 =	rddreg [dreg:$0x2]  }
0x4: {  	s0 =	rddreg [dreg:$0x3]  }
0x5: {  	s3 =	simm.s32 $0x0;
	s4 =	srdreg.scid;
	s2 =	stileid.u32  }
0x6: {  	[smem:$0x7FF] =	sst s3;
	s13 =	smul.u32 $0x2780, s2  }
0x7: {  	s9 =	sand.u32 $0x1, s4;
	s4 =	sadd.s32 $0x2C00, s8;
	s11 =	smul.u32 $0x4F000, s2  }
0x8: {  	s5 =	sadd.s32 $0x3400, s8;
	s31 =	sshll.u32 s2, $0x6;
	s14 =	smul.u32 $0xA00, s2  }
0x9: {  	s17 =	sadd.s32 $0x2D400, s8;
	_ =	strace $0x80000047;
	s6 =	ssub.s32 $0x2, s9  }
0xa: {  	p0 =	seq.s32 s9, $0x0;
	s9 =	simm.s32 $0x1;
	s10 =	sshrl.u32 s6, $0x1  }
0xb: {  	s12 =	sadd.s32 s13, s8;
	s30 =	sshrl.u32 s11, $0x2;
	s11 =	sadd.s32 $0x10, s7  }
0xc: {  	s16 =	sadd.s32 s7, s14;
	s13 =	sadd.s32 @!p0 s13, s17;
	s10 =	ssub.s32 s6, s10  }
0xd: {  	s15 =	sadd.s32 s30, s1;
	s6 =	sor.u32 $0x1C01, s31;
	s18 =	sadd.s32 $0x5C00, s12  }
0xe: {  	s11 =	sadd.s32 @!p0 s14, s11;
	s12 =	simm.s32 $0x80;
	s14 =	simm.s32 $0x100  }
0xf: {  	s7 =	smax.u32 s10, $0x1;
	s8 =	sshrl.u32 s15, $0x3;
	s10 =	simm.s32 $0x2800  }
0x10: {  	s11 =	smov.u32 @p0 s16;
	s13 =	smov.u32 @p0 s18;
	s15 =	simm.s32 $0x0  }
.LBB2_1:
0x11: {  	[spmem:s8], [sflag:s6] =	dma.local [hbm:s5], $0x2780  }
0x12: {  	_ =	swait.ge [sflag:s9], $0x2780  }
0x13: {  	[sflag:s9] =	ssyncset.done $0x0  }
0x14: {  	[sflag:s9] =	ssyncadd.s32 $0xFFFFD880  }
0x15: {  	[tilespmem:s10], [sflag:$0x1] =	stream.linear.gather [hbm4b:s4+s3], $0x4000, $0x38;
	[tilespmem:$0x1A400] =	vst v63  }
0x16: {  	_ =	swait.ge [sflag:s9], $0x4000  }
0x17: {  	[sflag:s9] =	ssyncset.done $0x0  }
0x18: {  	[sflag:s9] =	ssyncadd.s32 $0xFFFFC000  }
0x19: {  	[tilespmem:s3], [sflag:$0x1] =	stream.strided.gather [hbm4b:s11+s12], $0x2800, s14, s12, $0x38;
	[tilespmem:$0x1A400] =	vst v63  }
0x1a: {  	_ =	swait.ge [sflag:s9], $0x2800  }
0x1b: {  	[sflag:s9] =	ssyncset.done $0x0  }
0x1c: {  	[sflag:s9] =	ssyncadd.s32 $0xFFFFD800  }
0x1d: {  	s16 =	simm.s32 $0x0;
	[bflag:$0x0] =	sbarrier.arrive $0xFFFF  }
0x1e: {  	[spmem:s1] =	stream.indirect.scatter.add.f32 [tilespmem:s10], [sflag:$0x1], $0x80, s16, s12, $0xb8;
	[tilespmem:$0x1A400] =	vst v63  }
0x1f: {  	_ =	swait.ge [sflag:s9], $0x4000  }
0x20: {  	s16 =	simm.s32 $0x200;
	[sflag:s9] =	ssyncset.done $0x0  }
.LBB2_2:
0x21: {  	s17 =	sshra.s32 s16, $0x2;
	[sflag:s9] =	ssyncadd.s32 $0xFFFFC000;
	p0 =	sne.s32 s16, $0x9E00  }
0x22: {  	[spmem:s1] =	stream.indirect.scatter.add.f32 [tilespmem:s10], [sflag:$0x1], $0x80, s17, s12, $0xb8;
	[tilespmem:$0x1A400] =	vst v63  }
.Ltmp0:
0x23: {  	_ = 	snop;
	(pc) =	sbr.rel @p0 .LBB2_2-.Ltmp0, $4  }
0x24: {  	_ = 	snop  }
0x25: {  	s16 =	sadd.s32 $0x200, s16  }
0x26: {  	_ =	swait.ge [sflag:s9], $0x4000  }
0x27: {  	[sflag:s9] =	ssyncset.done $0x0  }
0x28: {  	s15 =	sadd.s32 $0x1, s15  }
0x29: {  	[sflag:s9] =	ssyncadd.s32 $0xFFFFC000;
	p0 =	sne.s32 s15, s7  }
.Ltmp1:
0x2a: {  	[bflag:$0x0] =	sbarrier.arrive $0xFFFF;
	(pc) =	sbr.rel @p0 .LBB2_1-.Ltmp1, $4  }
0x2b: {  	[hbm:s13], [sflag:s6] =	dma.local [spmem:s8], $0x2780  }
0x2c: {  	_ =	swait.ge [sflag:s9], $0x2780  }
0x2d: {  	[sflag:s9] =	ssyncset.done $0x0  }
0x2e: {  	[sflag:s9] =	ssyncadd.s32 $0xFFFFD880  }
0x2f: {  	_ =	sfence.sel $0x180000  }
0x30: {  	[bflag:$0x0] =	sbarrier.arrive $0xFFFF  }
0x31: {  	p0 =	sne.s32 s2, $0x0;
	_ =	strace $0x90000047  }
0x32: {  	s0 =	sadd.s32 @!p0 $0x100000, s0;
	[bflag:$0x2] =	sbarrier.arrive $0xFFFF  }
0x33: {  	[sflag:s0] =	ssyncadd.tile.s32 @!p0 $0x1;
	_ =	shalt  }
.Lfunc_end2:
_tile_overlayer_lowered:
.L_overlay_start_2:
0x34: {  	(tag) =	ssettag $0x2  }
0x35: {  	s0 =	rddreg [dreg:$0x0];
	s2 =	stileid.u32  }
0x36: {  	s1 =	rddreg [dreg:$0x1];
	p0 =	sne.s32 s2, $0x0  }
0x37: {  	s3 =	rddreg [dreg:$0x2];
	[bflag:$0x3] =	sbarrier.arrive $0xFFFF;
	s2 =	simm.s32 @!p0 $0x1C01  }
0x38: {  	[timem:s3], [sflag:s2] =	dma.local @!p0 [hbm:s0], s1  }
0x39: {  	s0 =	simm.s32 @!p0 $0x1  }
0x3a: {  	_ =	swait.ge @!p0 [sflag:s0], s1  }
0x3b: {  	s1 =	ssub.s32 @!p0 $0x0, s1;
	[sflag:s0] =	ssyncset.done @!p0 $0x0  }
0x3c: {  	[sflag:s0] =	ssyncadd.s32 @!p0 s1  }
0x3d: {  	[bflag:$0x3] =	sbarrier.arrive $0xFFFF  }
0x3e: {  	_ =	shalt  }

</sc_bundles>
